<compile_context>
chip_gen: v7x
topology: tpu7x:2x2x1
jax: 0.10.2.dev20260603
libtpu: 0.0.44.dev20260713+nightly
codegen_flags: <defaults>
</compile_context>

<pallas_src>
import jax
import jax.numpy as jnp
from jax import lax
from jax.experimental import pallas as pl
from jax.experimental.pallas import tpu as pltpu
from jax.experimental.pallas import tpu_sc as plsc

_DIM = 1 << 20
_BATCH = 32
_LOGBLK = 12
_BLK = 1 << _LOGBLK
_HALF = _BLK // 2
_NBLK = _DIM // _BLK
_VPB = _BLK // 16
_NBUF = 8

_NC = 2
_NS = 16


def _body(x_hbm, out_hbm, *refs):
    ins = refs[0:_NBUF]
    outs = refs[_NBUF:2 * _NBUF]
    sins = refs[2 * _NBUF:3 * _NBUF]
    souts = refs[3 * _NBUF:4 * _NBUF]

    wid = lax.axis_index("s") * _NC + lax.axis_index("c")
    x_row = x_hbm.at[wid]
    out_row = out_hbm.at[wid]

    lane = lax.broadcasted_iota(jnp.int32, (16,), 0)
    glane = lane ^ (lane >> 1)

    def start_in(h, b):
        src = h ^ (h >> 1)
        pltpu.async_copy(x_row.at[pl.ds(src * _BLK, _BLK)], ins[b], sins[b])

    def wait_in(b):
        pltpu.make_async_copy(x_row.at[pl.ds(0, _BLK)], ins[b], sins[b]).wait()

    def start_out(h, b):
        pltpu.async_copy(outs[b], out_row.at[pl.ds(h * _BLK, _BLK)], souts[b])

    def wait_out(h, b):
        pltpu.make_async_copy(outs[b], out_row.at[pl.ds(h * _BLK, _BLK)],
                              souts[b]).wait()

    def compute(b):
        flip = (b & 1) * _HALF

        @plsc.parallel_loop(0, _VPB, unroll=8)
        def _vec(k):
            idx = (glane ^ flip) ^ (((k * 2) ^ k) * 8)
            outs[b][pl.ds(k * 16, 16)] = plsc.load_gather(ins[b], [idx])

    for b in range(_NBUF):
        start_in(b, b)

    def group_step(g, carry):
        for b in range(_NBUF):
            h = g * _NBUF + b
            wait_in(b)

            @pl.when(g > 0)
            def _():
                wait_out(h - _NBUF, b)

            compute(b)
            start_out(h, b)

            @pl.when(g < _NBLK // _NBUF - 1)
            def _():
                start_in(h + _NBUF, b)

        return carry

    lax.fori_loop(0, _NBLK // _NBUF, group_step, None)
    for b in range(_NBUF):
        wait_out(_NBLK - _NBUF + b, b)


_permute = pl.kernel(
    _body,
    out_type=jax.ShapeDtypeStruct((_BATCH, _DIM), jnp.float32),
    mesh=plsc.VectorSubcoreMesh(core_axis_name="c", subcore_axis_name="s"),
    scratch_types=(
        [pltpu.VMEM((_BLK,), jnp.float32) for _ in range(2 * _NBUF)]
        + [pltpu.SemaphoreType.DMA for _ in range(2 * _NBUF)]
    ),
    compiler_params=pltpu.CompilerParams(needs_layout_passes=False),
)


@jax.jit
def kernel(x, ind):
    del ind
    return _permute(x)

# --- scband reference (transcript-rebuilt; emitter-appended) ---
"""Pipeline reference for scband-gate-cnotoptimized-77713138253954 (READ-ONLY COPY).

The authoritative reference and input builder live on the scoring server;
editing this copy changes nothing except your own understanding.
"""

import jax, jax.numpy as jnp
import numpy as np

_SIZE = 20
_SITE = [(i, i + 1) for i in range(_SIZE - 1)]


def _compute_ind(N, site):
    dim = 2 ** N
    ind = np.arange(dim, dtype=np.int64)
    usd = {}
    for ss in site:
        for s in ss:
            if s not in usd:
                usd[s] = np.repeat(np.tile(np.array([0, 1], dtype=np.int64), 2 ** s), 2 ** (N - 1 - s))
        s, sp = ss
        ind = ind + (-usd[sp] + np.logical_xor(usd[sp], usd[s]).astype(np.int64)) * (2 ** (N - 1 - sp))
    return ind


def setup_inputs(seed: int = 0) -> dict:
    key = jax.random.key(seed)
    dim = 2 ** _SIZE
    x = jax.random.normal(key, (32, dim), dtype=jnp.float32)
    ind = jnp.asarray(_compute_ind(_SIZE, _SITE))
    return {"x": x, "ind": ind}


def reference(x, ind):
    # Faithful to torch forward: x[:, self.ind] (gather along dim 1)
    return jnp.take(x, ind, axis=1)

if __name__ == "__main__":
    import jax
    _d = setup_inputs()
    print(jax.jit(kernel)(*tuple(_d.values())))

</pallas_src>

<mosaic_0001>
#map = affine_map<(d0, d1) -> (0, 0)>
module attributes {stable_mosaic.version = 14 : i64} {
  func.func @_body(%arg0: i32, %arg1: i32, %arg2: memref<32x1048576xf32, #tpu.memory_space<hbm>>, %arg3: memref<32x1048576xf32, #tpu.memory_space<hbm>>, %arg4: memref<4096xf32, #tpu.memory_space<vmem>>, %arg5: memref<4096xf32, #tpu.memory_space<vmem>>, %arg6: memref<4096xf32, #tpu.memory_space<vmem>>, %arg7: memref<4096xf32, #tpu.memory_space<vmem>>, %arg8: memref<4096xf32, #tpu.memory_space<vmem>>, %arg9: memref<4096xf32, #tpu.memory_space<vmem>>, %arg10: memref<4096xf32, #tpu.memory_space<vmem>>, %arg11: memref<4096xf32, #tpu.memory_space<vmem>>, %arg12: memref<4096xf32, #tpu.memory_space<vmem>>, %arg13: memref<4096xf32, #tpu.memory_space<vmem>>, %arg14: memref<4096xf32, #tpu.memory_space<vmem>>, %arg15: memref<4096xf32, #tpu.memory_space<vmem>>, %arg16: memref<4096xf32, #tpu.memory_space<vmem>>, %arg17: memref<4096xf32, #tpu.memory_space<vmem>>, %arg18: memref<4096xf32, #tpu.memory_space<vmem>>, %arg19: memref<4096xf32, #tpu.memory_space<vmem>>, %arg20: memref<!tpu.dma_semaphore, #tpu.memory_space<semaphore_mem>>, %arg21: memref<!tpu.dma_semaphore, #tpu.memory_space<semaphore_mem>>, %arg22: memref<!tpu.dma_semaphore, #tpu.memory_space<semaphore_mem>>, %arg23: memref<!tpu.dma_semaphore, #tpu.memory_space<semaphore_mem>>, %arg24: memref<!tpu.dma_semaphore, #tpu.memory_space<semaphore_mem>>, %arg25: memref<!tpu.dma_semaphore, #tpu.memory_space<semaphore_mem>>, %arg26: memref<!tpu.dma_semaphore, #tpu.memory_space<semaphore_mem>>, %arg27: memref<!tpu.dma_semaphore, #tpu.memory_space<semaphore_mem>>, %arg28: memref<!tpu.dma_semaphore, #tpu.memory_space<semaphore_mem>>, %arg29: memref<!tpu.dma_semaphore, #tpu.memory_space<semaphore_mem>>, %arg30: memref<!tpu.dma_semaphore, #tpu.memory_space<semaphore_mem>>, %arg31: memref<!tpu.dma_semaphore, #tpu.memory_space<semaphore_mem>>, %arg32: memref<!tpu.dma_semaphore, #tpu.memory_space<semaphore_mem>>, %arg33: memref<!tpu.dma_semaphore, #tpu.memory_space<semaphore_mem>>, %arg34: memref<!tpu.dma_semaphore, #tpu.memory_space<semaphore_mem>>, %arg35: memref<!tpu.dma_semaphore, #tpu.memory_space<semaphore_mem>>) attributes {dimension_semantics = [#tpu.dimension_semantics<core_parallel>, #tpu.dimension_semantics<subcore_parallel>], iteration_bounds = array<i64: 2, 16>, scalar_prefetch = 0 : i64, scratch_operands = 32 : i64, tpu.core_type = #tpu.core_type<sc_vector_subcore>, window_params = [{transform_indices = #map}, {transform_indices = #map}]} {
    %mul3A = arith.constant 2 : i32
    %mul3A_0 = arith.muli %arg1, %mul3A : i32
    %add3A = arith.addi %mul3A_0, %arg0 : i32
    %iota3A = tpu.iota {dimensions = array<i32: 0>} : vector<16xi32>
    %shift_right_arithmetic3A = arith.constant 1 : i32
    %shift_right_arithmetic3A_1 = vector.broadcast %shift_right_arithmetic3A : i32 to vector<16xi32>
    %shift_right_arithmetic3A_2 = arith.shrsi %iota3A, %shift_right_arithmetic3A_1 : vector<16xi32>
    %xor3A = arith.xori %iota3A, %shift_right_arithmetic3A_2 : vector<16xi32>
    %dma_start3A = arith.constant 0 : i32
    %dma_start3A_3 = tpu.memref_slice %arg2[%add3A, %dma_start3A] : memref<32x1048576xf32, #tpu.memory_space<hbm>> -> memref<1x1048576xf32, #tpu.memory_space<hbm>>
    %dma_start3A_4 = tpu.memref_squeeze %dma_start3A_3 : memref<1x1048576xf32, #tpu.memory_space<hbm>> -> memref<1048576xf32, #tpu.memory_space<hbm>>
    %dma_start3A_5 = arith.constant 0 : i32
    %dma_start3A_6 = tpu.memref_slice %dma_start3A_4[%dma_start3A_5] : memref<1048576xf32, #tpu.memory_space<hbm>> -> memref<4096xf32, #tpu.memory_space<hbm>>
    %dma_start3A_7 = arith.constant 0 : i32
    %dma_start3A_8 = tpu.memref_slice %arg2[%add3A, %dma_start3A_7] : memref<32x1048576xf32, #tpu.memory_space<hbm>> -> memref<1x1048576xf32, #tpu.memory_space<hbm>>
    %dma_start3A_9 = tpu.memref_squeeze %dma_start3A_8 : memref<1x1048576xf32, #tpu.memory_space<hbm>> -> memref<1048576xf32, #tpu.memory_space<hbm>>
    %dma_start3A_10 = arith.constant 0 : i32
    %dma_start3A_11 = tpu.memref_slice %dma_start3A_9[%dma_start3A_10] : memref<1048576xf32, #tpu.memory_space<hbm>> -> memref<4096xf32, #tpu.memory_space<hbm>>
    tpu.enqueue_dma source(%dma_start3A_11 : memref<4096xf32, #tpu.memory_space<hbm>>) target(%arg4 : memref<4096xf32, #tpu.memory_space<vmem>>) target_semaphore(%arg20 : memref<!tpu.dma_semaphore, #tpu.memory_space<semaphore_mem>>)
    %dma_start3A_12 = arith.constant 0 : i32
    %dma_start3A_13 = tpu.memref_slice %arg2[%add3A, %dma_start3A_12] : memref<32x1048576xf32, #tpu.memory_space<hbm>> -> memref<1x1048576xf32, #tpu.memory_space<hbm>>
    %dma_start3A_14 = tpu.memref_squeeze %dma_start3A_13 : memref<1x1048576xf32, #tpu.memory_space<hbm>> -> memref<1048576xf32, #tpu.memory_space<hbm>>
    %dma_start3A_15 = arith.constant 4096 : i32
    %dma_start3A_16 = tpu.memref_slice %dma_start3A_14[%dma_start3A_15] : memref<1048576xf32, #tpu.memory_space<hbm>> -> memref<4096xf32, #tpu.memory_space<hbm>>
    %dma_start3A_17 = arith.constant 0 : i32
    %dma_start3A_18 = tpu.memref_slice %arg2[%add3A, %dma_start3A_17] : memref<32x1048576xf32, #tpu.memory_space<hbm>> -> memref<1x1048576xf32, #tpu.memory_space<hbm>>
    %dma_start3A_19 = tpu.memref_squeeze %dma_start3A_18 : memref<1x1048576xf32, #tpu.memory_space<hbm>> -> memref<1048576xf32, #tpu.memory_space<hbm>>
    %dma_start3A_20 = arith.constant 4096 : i32
    %dma_start3A_21 = tpu.memref_slice %dma_start3A_19[%dma_start3A_20] : memref<1048576xf32, #tpu.memory_space<hbm>> -> memref<4096xf32, #tpu.memory_space<hbm>>
    tpu.enqueue_dma source(%dma_start3A_21 : memref<4096xf32, #tpu.memory_space<hbm>>) target(%arg5 : memref<4096xf32, #tpu.memory_space<vmem>>) target_semaphore(%arg21 : memref<!tpu.dma_semaphore, #tpu.memory_space<semaphore_mem>>)
    %dma_start3A_22 = arith.constant 0 : i32
    %dma_start3A_23 = tpu.memref_slice %arg2[%add3A, %dma_start3A_22] : memref<32x1048576xf32, #tpu.memory_space<hbm>> -> memref<1x1048576xf32, #tpu.memory_space<hbm>>
    %dma_start3A_24 = tpu.memref_squeeze %dma_start3A_23 : memref<1x1048576xf32, #tpu.memory_space<hbm>> -> memref<1048576xf32, #tpu.memory_space<hbm>>
    %dma_start3A_25 = arith.constant 12288 : i32
    %dma_start3A_26 = tpu.memref_slice %dma_start3A_24[%dma_start3A_25] : memref<1048576xf32, #tpu.memory_space<hbm>> -> memref<4096xf32, #tpu.memory_space<hbm>>
    %dma_start3A_27 = arith.constant 0 : i32
    %dma_start3A_28 = tpu.memref_slice %arg2[%add3A, %dma_start3A_27] : memref<32x1048576xf32, #tpu.memory_space<hbm>> -> memref<1x1048576xf32, #tpu.memory_space<hbm>>
    %dma_start3A_29 = tpu.memref_squeeze %dma_start3A_28 : memref<1x1048576xf32, #tpu.memory_space<hbm>> -> memref<1048576xf32, #tpu.memory_space<hbm>>
    %dma_start3A_30 = arith.constant 12288 : i32
    %dma_start3A_31 = tpu.memref_slice %dma_start3A_29[%dma_start3A_30] : memref<1048576xf32, #tpu.memory_space<hbm>> -> memref<4096xf32, #tpu.memory_space<hbm>>
    tpu.enqueue_dma source(%dma_start3A_31 : memref<4096xf32, #tpu.memory_space<hbm>>) target(%arg6 : memref<4096xf32, #tpu.memory_space<vmem>>) target_semaphore(%arg22 : memref<!tpu.dma_semaphore, #tpu.memory_space<semaphore_mem>>)
    %dma_start3A_32 = arith.constant 0 : i32
    %dma_start3A_33 = tpu.memref_slice %arg2[%add3A, %dma_start3A_32] : memref<32x1048576xf32, #tpu.memory_space<hbm>> -> memref<1x1048576xf32, #tpu.memory_space<hbm>>
    %dma_start3A_34 = tpu.memref_squeeze %dma_start3A_33 : memref<1x1048576xf32, #tpu.memory_space<hbm>> -> memref<1048576xf32, #tpu.memory_space<hbm>>
    %dma_start3A_35 = arith.constant 8192 : i32
    %dma_start3A_36 = tpu.memref_slice %dma_start3A_34[%dma_start3A_35] : memref<1048576xf32, #tpu.memory_space<hbm>> -> memref<4096xf32, #tpu.memory_space<hbm>>
    %dma_start3A_37 = arith.constant 0 : i32
    %dma_start3A_38 = tpu.memref_slice %arg2[%add3A, %dma_start3A_37] : memref<32x1048576xf32, #tpu.memory_space<hbm>> -> memref<1x1048576xf32, #tpu.memory_space<hbm>>
    %dma_start3A_39 = tpu.memref_squeeze %dma_start3A_38 : memref<1x1048576xf32, #tpu.memory_space<hbm>> -> memref<1048576xf32, #tpu.memory_space<hbm>>
    %dma_start3A_40 = arith.constant 8192 : i32
    %dma_start3A_41 = tpu.memref_slice %dma_start3A_39[%dma_start3A_40] : memref<1048576xf32, #tpu.memory_space<hbm>> -> memref<4096xf32, #tpu.memory_space<hbm>>
    tpu.enqueue_dma source(%dma_start3A_41 : memref<4096xf32, #tpu.memory_space<hbm>>) target(%arg7 : memref<4096xf32, #tpu.memory_space<vmem>>) target_semaphore(%arg23 : memref<!tpu.dma_semaphore, #tpu.memory_space<semaphore_mem>>)
    %dma_start3A_42 = arith.constant 0 : i32
    %dma_start3A_43 = tpu.memref_slice %arg2[%add3A, %dma_start3A_42] : memref<32x1048576xf32, #tpu.memory_space<hbm>> -> memref<1x1048576xf32, #tpu.memory_space<hbm>>
    %dma_start3A_44 = tpu.memref_squeeze %dma_start3A_43 : memref<1x1048576xf32, #tpu.memory_space<hbm>> -> memref<1048576xf32, #tpu.memory_space<hbm>>
    %dma_start3A_45 = arith.constant 24576 : i32
    %dma_start3A_46 = tpu.memref_slice %dma_start3A_44[%dma_start3A_45] : memref<1048576xf32, #tpu.memory_space<hbm>> -> memref<4096xf32, #tpu.memory_space<hbm>>
    %dma_start3A_47 = arith.constant 0 : i32
    %dma_start3A_48 = tpu.memref_slice %arg2[%add3A, %dma_start3A_47] : memref<32x1048576xf32, #tpu.memory_space<hbm>> -> memref<1x1048576xf32, #tpu.memory_space<hbm>>
    %dma_start3A_49 = tpu.memref_squeeze %dma_start3A_48 : memref<1x1048576xf32, #tpu.memory_space<hbm>> -> memref<1048576xf32, #tpu.memory_space<hbm>>
    %dma_start3A_50 = arith.constant 24576 : i32
    %dma_start3A_51 = tpu.memref_slice %dma_start3A_49[%dma_start3A_50] : memref<1048576xf32, #tpu.memory_space<hbm>> -> memref<4096xf32, #tpu.memory_space<hbm>>
    tpu.enqueue_dma source(%dma_start3A_51 : memref<4096xf32, #tpu.memory_space<hbm>>) target(%arg8 : memref<4096xf32, #tpu.memory_space<vmem>>) target_semaphore(%arg24 : memref<!tpu.dma_semaphore, #tpu.memory_space<semaphore_mem>>)
    %dma_start3A_52 = arith.constant 0 : i32
    %dma_start3A_53 = tpu.memref_slice %arg2[%add3A, %dma_start3A_52] : memref<32x1048576xf32, #tpu.memory_space<hbm>> -> memref<1x1048576xf32, #tpu.memory_space<hbm>>
    %dma_start3A_54 = tpu.memref_squeeze %dma_start3A_53 : memref<1x1048576xf32, #tpu.memory_space<hbm>> -> memref<1048576xf32, #tpu.memory_space<hbm>>
    %dma_start3A_55 = arith.constant 28672 : i32
    %dma_start3A_56 = tpu.memref_slice %dma_start3A_54[%dma_start3A_55] : memref<1048576xf32, #tpu.memory_space<hbm>> -> memref<4096xf32, #tpu.memory_space<hbm>>
    %dma_start3A_57 = arith.constant 0 : i32
    %dma_start3A_58 = tpu.memref_slice %arg2[%add3A, %dma_start3A_57] : memref<32x1048576xf32, #tpu.memory_space<hbm>> -> memref<1x1048576xf32, #tpu.memory_space<hbm>>
    %dma_start3A_59 = tpu.memref_squeeze %dma_start3A_58 : memref<1x1048576xf32, #tpu.memory_space<hbm>> -> memref<1048576xf32, #tpu.memory_space<hbm>>
    %dma_start3A_60 = arith.constant 28672 : i32
    %dma_start3A_61 = tpu.memref_slice %dma_start3A_59[%dma_start3A_60] : memref<1048576xf32, #tpu.memory_space<hbm>> -> memref<4096xf32, #tpu.memory_space<hbm>>
    tpu.enqueue_dma source(%dma_start3A_61 : memref<4096xf32, #tpu.memory_space<hbm>>) target(%arg9 : memref<4096xf32, #tpu.memory_space<vmem>>) target_semaphore(%arg25 : memref<!tpu.dma_semaphore, #tpu.memory_space<semaphore_mem>>)
    %dma_start3A_62 = arith.constant 0 : i32
    %dma_start3A_63 = tpu.memref_slice %arg2[%add3A, %dma_start3A_62] : memref<32x1048576xf32, #tpu.memory_space<hbm>> -> memref<1x1048576xf32, #tpu.memory_space<hbm>>
    %dma_start3A_64 = tpu.memref_squeeze %dma_start3A_63 : memref<1x1048576xf32, #tpu.memory_space<hbm>> -> memref<1048576xf32, #tpu.memory_space<hbm>>
    %dma_start3A_65 = arith.constant 20480 : i32
    %dma_start3A_66 = tpu.memref_slice %dma_start3A_64[%dma_start3A_65] : memref<1048576xf32, #tpu.memory_space<hbm>> -> memref<4096xf32, #tpu.memory_space<hbm>>
    %dma_start3A_67 = arith.constant 0 : i32
    %dma_start3A_68 = tpu.memref_slice %arg2[%add3A, %dma_start3A_67] : memref<32x1048576xf32, #tpu.memory_space<hbm>> -> memref<1x1048576xf32, #tpu.memory_space<hbm>>
    %dma_start3A_69 = tpu.memref_squeeze %dma_start3A_68 : memref<1x1048576xf32, #tpu.memory_space<hbm>> -> memref<1048576xf32, #tpu.memory_space<hbm>>
    %dma_start3A_70 = arith.constant 20480 : i32
    %dma_start3A_71 = tpu.memref_slice %dma_start3A_69[%dma_start3A_70] : memref<1048576xf32, #tpu.memory_space<hbm>> -> memref<4096xf32, #tpu.memory_space<hbm>>
    tpu.enqueue_dma source(%dma_start3A_71 : memref<4096xf32, #tpu.memory_space<hbm>>) target(%arg10 : memref<4096xf32, #tpu.memory_space<vmem>>) target_semaphore(%arg26 : memref<!tpu.dma_semaphore, #tpu.memory_space<semaphore_mem>>)
    %dma_start3A_72 = arith.constant 0 : i32
    %dma_start3A_73 = tpu.memref_slice %arg2[%add3A, %dma_start3A_72] : memref<32x1048576xf32, #tpu.memory_space<hbm>> -> memref<1x1048576xf32, #tpu.memory_space<hbm>>
    %dma_start3A_74 = tpu.memref_squeeze %dma_start3A_73 : memref<1x1048576xf32, #tpu.memory_space<hbm>> -> memref<1048576xf32, #tpu.memory_space<hbm>>
    %dma_start3A_75 = arith.constant 16384 : i32
    %dma_start3A_76 = tpu.memref_slice %dma_start3A_74[%dma_start3A_75] : memref<1048576xf32, #tpu.memory_space<hbm>> -> memref<4096xf32, #tpu.memory_space<hbm>>
    %dma_start3A_77 = arith.constant 0 : i32
    %dma_start3A_78 = tpu.memref_slice %arg2[%add3A, %dma_start3A_77] : memref<32x1048576xf32, #tpu.memory_space<hbm>> -> memref<1x1048576xf32, #tpu.memory_space<hbm>>
    %dma_start3A_79 = tpu.memref_squeeze %dma_start3A_78 : memref<1x1048576xf32, #tpu.memory_space<hbm>> -> memref<1048576xf32, #tpu.memory_space<hbm>>
    %dma_start3A_80 = arith.constant 16384 : i32
    %dma_start3A_81 = tpu.memref_slice %dma_start3A_79[%dma_start3A_80] : memref<1048576xf32, #tpu.memory_space<hbm>> -> memref<4096xf32, #tpu.memory_space<hbm>>
    tpu.enqueue_dma source(%dma_start3A_81 : memref<4096xf32, #tpu.memory_space<hbm>>) target(%arg11 : memref<4096xf32, #tpu.memory_space<vmem>>) target_semaphore(%arg27 : memref<!tpu.dma_semaphore, #tpu.memory_space<semaphore_mem>>)
    %scan3A = arith.constant 0 : i32
    %scan3A_82 = arith.constant 32 : i32
    %scan3A_83 = arith.addi %scan3A, %scan3A_82 : i32
    %scan3A_84 = arith.constant 1 : i32
    scf.for %scan3A_165 = %scan3A to %scan3A_83 step %scan3A_84  : i32 {
      %mul3A_166 = arith.constant 8 : i32
      %mul3A_167 = arith.muli %scan3A_165, %mul3A_166 : i32
      %add3A_168 = arith.constant 0 : i32
      %add3A_169 = arith.addi %mul3A_167, %add3A_168 : i32
      %dma_wait3A_170 = arith.constant 0 : i32
      %dma_wait3A_171 = tpu.memref_slice %arg2[%add3A, %dma_wait3A_170] : memref<32x1048576xf32, #tpu.memory_space<hbm>> -> memref<1x1048576xf32, #tpu.memory_space<hbm>>
      %dma_wait3A_172 = tpu.memref_squeeze %dma_wait3A_171 : memref<1x1048576xf32, #tpu.memory_space<hbm>> -> memref<1048576xf32, #tpu.memory_space<hbm>>
      %dma_wait3A_173 = arith.constant 0 : i32
      %dma_wait3A_174 = tpu.memref_slice %dma_wait3A_172[%dma_wait3A_173] : memref<1048576xf32, #tpu.memory_space<hbm>> -> memref<4096xf32, #tpu.memory_space<hbm>>
      %dma_wait3A_175 = arith.constant 0 : i32
      %dma_wait3A_176 = tpu.memref_slice %arg2[%add3A, %dma_wait3A_175] : memref<32x1048576xf32, #tpu.memory_space<hbm>> -> memref<1x1048576xf32, #tpu.memory_space<hbm>>
      %dma_wait3A_177 = tpu.memref_squeeze %dma_wait3A_176 : memref<1x1048576xf32, #tpu.memory_space<hbm>> -> memref<1048576xf32, #tpu.memory_space<hbm>>
      %dma_wait3A_178 = arith.constant 0 : i32
      %dma_wait3A_179 = tpu.memref_slice %dma_wait3A_177[%dma_wait3A_178] : memref<1048576xf32, #tpu.memory_space<hbm>> -> memref<4096xf32, #tpu.memory_space<hbm>>
      tpu.wait_dma2 semaphore(%arg20 : memref<!tpu.dma_semaphore, #tpu.memory_space<semaphore_mem>>) src(%dma_wait3A_179 : memref<4096xf32, #tpu.memory_space<hbm>>) dst(%arg4 : memref<4096xf32, #tpu.memory_space<vmem>>)
      %gt3A = arith.constant 0 : i32
      %gt3A_180 = arith.cmpi sgt, %scan3A_165, %gt3A : i32
      %convert_element_type3A = arith.extui %gt3A_180 : i1 to i32
      %cond3A = arith.constant 0 : i32
      %cond3A_181 = arith.cmpi ne, %convert_element_type3A, %cond3A : i32
      scf.if %cond3A_181 {
        %sub3A = arith.constant 8 : i32
        %sub3A_457 = arith.subi %add3A_169, %sub3A : i32
        %mul3A_458 = arith.constant 4096 : i32
        %mul3A_459 = arith.muli %sub3A_457, %mul3A_458 : i32
        %dma_wait3A_460 = arith.constant 0 : i32
        %dma_wait3A_461 = tpu.memref_slice %arg3[%add3A, %dma_wait3A_460] : memref<32x1048576xf32, #tpu.memory_space<hbm>> -> memref<1x1048576xf32, #tpu.memory_space<hbm>>
        %dma_wait3A_462 = tpu.memref_squeeze %dma_wait3A_461 : memref<1x1048576xf32, #tpu.memory_space<hbm>> -> memref<1048576xf32, #tpu.memory_space<hbm>>
        %dma_wait3A_463 = tpu.memref_slice %dma_wait3A_462[%mul3A_459] : memref<1048576xf32, #tpu.memory_space<hbm>> -> memref<4096xf32, #tpu.memory_space<hbm>>
        %dma_wait3A_464 = arith.constant 0 : i32
        %dma_wait3A_465 = tpu.memref_slice %arg3[%add3A, %dma_wait3A_464] : memref<32x1048576xf32, #tpu.memory_space<hbm>> -> memref<1x1048576xf32, #tpu.memory_space<hbm>>
        %dma_wait3A_466 = tpu.memref_squeeze %dma_wait3A_465 : memref<1x1048576xf32, #tpu.memory_space<hbm>> -> memref<1048576xf32, #tpu.memory_space<hbm>>
        %dma_wait3A_467 = tpu.memref_slice %dma_wait3A_466[%mul3A_459] : memref<1048576xf32, #tpu.memory_space<hbm>> -> memref<4096xf32, #tpu.memory_space<hbm>>
        tpu.wait_dma2 semaphore(%arg28 : memref<!tpu.dma_semaphore, #tpu.memory_space<semaphore_mem>>) src(%arg12 : memref<4096xf32, #tpu.memory_space<vmem>>) dst(%dma_wait3A_467 : memref<4096xf32, #tpu.memory_space<hbm>>)
      } else {
      }
      %parallel_loop3A = arith.constant 0 : i32
      %parallel_loop3A_182 = arith.constant 256 : i32
      %parallel_loop3A_183 = arith.constant 1 : i32
      scf.for %parallel_loop3A_457 = %parallel_loop3A to %parallel_loop3A_182 step %parallel_loop3A_183  : i32 {
        %parallel_loop3A_458 = arith.constant 0 : i32
        %parallel_loop3A_459 = vector.broadcast %parallel_loop3A_458 : i32 to vector<16xi32>
        %parallel_loop3A_460 = arith.xori %xor3A, %parallel_loop3A_459 : vector<16xi32>
        %parallel_loop3A_461 = arith.constant 2 : i32
        %parallel_loop3A_462 = arith.muli %parallel_loop3A_457, %parallel_loop3A_461 : i32
        %parallel_loop3A_463 = arith.xori %parallel_loop3A_462, %parallel_loop3A_457 : i32
        %parallel_loop3A_464 = arith.constant 8 : i32
        %parallel_loop3A_465 = arith.muli %parallel_loop3A_463, %parallel_loop3A_464 : i32
        %parallel_loop3A_466 = vector.broadcast %parallel_loop3A_465 : i32 to vector<16xi32>
        %parallel_loop3A_467 = arith.xori %parallel_loop3A_460, %parallel_loop3A_466 : vector<16xi32>
        %parallel_loop3A_468 = tpu.vector_load_idx %arg4[%parallel_loop3A_467] : memref<4096xf32, #tpu.memory_space<vmem>>[vector<16xi32>], vector<16xf32>,
        %parallel_loop3A_469 = arith.constant 16 : i32
        %parallel_loop3A_470 = arith.muli %parallel_loop3A_457, %parallel_loop3A_469 : i32
        %parallel_loop3A_471 = arith.index_cast %parallel_loop3A_470 : i32 to index
        %parallel_loop3A_472 = tpu.vector_load %arg12[%parallel_loop3A_471] {strides = array<i32>} : memref<4096xf32, #tpu.memory_space<vmem>>, vector<16xf32>,
        tpu.vector_store %arg12[%parallel_loop3A_471], %parallel_loop3A_468 {strides = array<i32>} : memref<4096xf32, #tpu.memory_space<vmem>>, vector<16xf32>,
      } {sc.loop_unroll_factor = 8 : i64, sc.parallel_access}
      %mul3A_184 = arith.constant 4096 : i32
      %mul3A_185 = arith.muli %add3A_169, %mul3A_184 : i32
      %dma_start3A_186 = arith.constant 0 : i32
      %dma_start3A_187 = tpu.memref_slice %arg3[%add3A, %dma_start3A_186] : memref<32x1048576xf32, #tpu.memory_space<hbm>> -> memref<1x1048576xf32, #tpu.memory_space<hbm>>
      %dma_start3A_188 = tpu.memref_squeeze %dma_start3A_187 : memref<1x1048576xf32, #tpu.memory_space<hbm>> -> memref<1048576xf32, #tpu.memory_space<hbm>>
      %dma_start3A_189 = tpu.memref_slice %dma_start3A_188[%mul3A_185] : memref<1048576xf32, #tpu.memory_space<hbm>> -> memref<4096xf32, #tpu.memory_space<hbm>>
      %dma_start3A_190 = arith.constant 0 : i32
      %dma_start3A_191 = tpu.memref_slice %arg3[%add3A, %dma_start3A_190] : memref<32x1048576xf32, #tpu.memory_space<hbm>> -> memref<1x1048576xf32, #tpu.memory_space<hbm>>
      %dma_start3A_192 = tpu.memref_squeeze %dma_start3A_191 : memref<1x1048576xf32, #tpu.memory_space<hbm>> -> memref<1048576xf32, #tpu.memory_space<hbm>>
      %dma_start3A_193 = tpu.memref_slice %dma_start3A_192[%mul3A_185] : memref<1048576xf32, #tpu.memory_space<hbm>> -> memref<4096xf32, #tpu.memory_space<hbm>>
      tpu.enqueue_dma source(%arg12 : memref<4096xf32, #tpu.memory_space<vmem>>) target(%dma_start3A_193 : memref<4096xf32, #tpu.memory_space<hbm>>) target_semaphore(%arg28 : memref<!tpu.dma_semaphore, #tpu.memory_space<semaphore_mem>>)
      %lt3A = arith.constant 31 : i32
      %lt3A_194 = arith.cmpi slt, %scan3A_165, %lt3A : i32
      %convert_element_type3A_195 = arith.extui %lt3A_194 : i1 to i32
      %cond3A_196 = arith.constant 0 : i32
      %cond3A_197 = arith.cmpi ne, %convert_element_type3A_195, %cond3A_196 : i32
      scf.if %cond3A_197 {
        %add3A_457 = arith.constant 8 : i32
        %add3A_458 = arith.addi %add3A_169, %add3A_457 : i32
        %shift_right_arithmetic3A_459 = arith.constant 1 : i32
        %shift_right_arithmetic3A_460 = arith.shrsi %add3A_458, %shift_right_arithmetic3A_459 : i32
        %xor3A_461 = arith.xori %add3A_458, %shift_right_arithmetic3A_460 : i32
        %mul3A_462 = arith.constant 4096 : i32
        %mul3A_463 = arith.muli %xor3A_461, %mul3A_462 : i32
        %dma_start3A_464 = arith.constant 0 : i32
        %dma_start3A_465 = tpu.memref_slice %arg2[%add3A, %dma_start3A_464] : memref<32x1048576xf32, #tpu.memory_space<hbm>> -> memref<1x1048576xf32, #tpu.memory_space<hbm>>
        %dma_start3A_466 = tpu.memref_squeeze %dma_start3A_465 : memref<1x1048576xf32, #tpu.memory_space<hbm>> -> memref<1048576xf32, #tpu.memory_space<hbm>>
        %dma_start3A_467 = tpu.memref_slice %dma_start3A_466[%mul3A_463] : memref<1048576xf32, #tpu.memory_space<hbm>> -> memref<4096xf32, #tpu.memory_space<hbm>>
        %dma_start3A_468 = arith.constant 0 : i32
        %dma_start3A_469 = tpu.memref_slice %arg2[%add3A, %dma_start3A_468] : memref<32x1048576xf32, #tpu.memory_space<hbm>> -> memref<1x1048576xf32, #tpu.memory_space<hbm>>
        %dma_start3A_470 = tpu.memref_squeeze %dma_start3A_469 : memref<1x1048576xf32, #tpu.memory_space<hbm>> -> memref<1048576xf32, #tpu.memory_space<hbm>>
        %dma_start3A_471 = tpu.memref_slice %dma_start3A_470[%mul3A_463] : memref<1048576xf32, #tpu.memory_space<hbm>> -> memref<4096xf32, #tpu.memory_space<hbm>>
        tpu.enqueue_dma source(%dma_start3A_471 : memref<4096xf32, #tpu.memory_space<hbm>>) target(%arg4 : memref<4096xf32, #tpu.memory_space<vmem>>) target_semaphore(%arg20 : memref<!tpu.dma_semaphore, #tpu.memory_space<semaphore_mem>>)
      } else {
      }
      %mul3A_198 = arith.constant 8 : i32
      %mul3A_199 = arith.muli %scan3A_165, %mul3A_198 : i32
      %add3A_200 = arith.constant 1 : i32
      %add3A_201 = arith.addi %mul3A_199, %add3A_200 : i32
      %dma_wait3A_202 = arith.constant 0 : i32
      %dma_wait3A_203 = tpu.memref_slice %arg2[%add3A, %dma_wait3A_202] : memref<32x1048576xf32, #tpu.memory_space<hbm>> -> memref<1x1048576xf32, #tpu.memory_space<hbm>>
      %dma_wait3A_204 = tpu.memref_squeeze %dma_wait3A_203 : memref<1x1048576xf32, #tpu.memory_space<hbm>> -> memref<1048576xf32, #tpu.memory_space<hbm>>
      %dma_wait3A_205 = arith.constant 0 : i32
      %dma_wait3A_206 = tpu.memref_slice %dma_wait3A_204[%dma_wait3A_205] : memref<1048576xf32, #tpu.memory_space<hbm>> -> memref<4096xf32, #tpu.memory_space<hbm>>
      %dma_wait3A_207 = arith.constant 0 : i32
      %dma_wait3A_208 = tpu.memref_slice %arg2[%add3A, %dma_wait3A_207] : memref<32x1048576xf32, #tpu.memory_space<hbm>> -> memref<1x1048576xf32, #tpu.memory_space<hbm>>
      %dma_wait3A_209 = tpu.memref_squeeze %dma_wait3A_208 : memref<1x1048576xf32, #tpu.memory_space<hbm>> -> memref<1048576xf32, #tpu.memory_space<hbm>>
      %dma_wait3A_210 = arith.constant 0 : i32
      %dma_wait3A_211 = tpu.memref_slice %dma_wait3A_209[%dma_wait3A_210] : memref<1048576xf32, #tpu.memory_space<hbm>> -> memref<4096xf32, #tpu.memory_space<hbm>>
      tpu.wait_dma2 semaphore(%arg21 : memref<!tpu.dma_semaphore, #tpu.memory_space<semaphore_mem>>) src(%dma_wait3A_211 : memref<4096xf32, #tpu.memory_space<hbm>>) dst(%arg5 : memref<4096xf32, #tpu.memory_space<vmem>>)
      %gt3A_212 = arith.constant 0 : i32
      %gt3A_213 = arith.cmpi sgt, %scan3A_165, %gt3A_212 : i32
      %convert_element_type3A_214 = arith.extui %gt3A_213 : i1 to i32
      %cond3A_215 = arith.constant 0 : i32
      %cond3A_216 = arith.cmpi ne, %convert_element_type3A_214, %cond3A_215 : i32
      scf.if %cond3A_216 {
        %sub3A = arith.constant 8 : i32
        %sub3A_457 = arith.subi %add3A_201, %sub3A : i32
        %mul3A_458 = arith.constant 4096 : i32
        %mul3A_459 = arith.muli %sub3A_457, %mul3A_458 : i32
        %dma_wait3A_460 = arith.constant 0 : i32
        %dma_wait3A_461 = tpu.memref_slice %arg3[%add3A, %dma_wait3A_460] : memref<32x1048576xf32, #tpu.memory_space<hbm>> -> memref<1x1048576xf32, #tpu.memory_space<hbm>>
        %dma_wait3A_462 = tpu.memref_squeeze %dma_wait3A_461 : memref<1x1048576xf32, #tpu.memory_space<hbm>> -> memref<1048576xf32, #tpu.memory_space<hbm>>
        %dma_wait3A_463 = tpu.memref_slice %dma_wait3A_462[%mul3A_459] : memref<1048576xf32, #tpu.memory_space<hbm>> -> memref<4096xf32, #tpu.memory_space<hbm>>
        %dma_wait3A_464 = arith.constant 0 : i32
        %dma_wait3A_465 = tpu.memref_slice %arg3[%add3A, %dma_wait3A_464] : memref<32x1048576xf32, #tpu.memory_space<hbm>> -> memref<1x1048576xf32, #tpu.memory_space<hbm>>
        %dma_wait3A_466 = tpu.memref_squeeze %dma_wait3A_465 : memref<1x1048576xf32, #tpu.memory_space<hbm>> -> memref<1048576xf32, #tpu.memory_space<hbm>>
        %dma_wait3A_467 = tpu.memref_slice %dma_wait3A_466[%mul3A_459] : memref<1048576xf32, #tpu.memory_space<hbm>> -> memref<4096xf32, #tpu.memory_space<hbm>>
        tpu.wait_dma2 semaphore(%arg29 : memref<!tpu.dma_semaphore, #tpu.memory_space<semaphore_mem>>) src(%arg13 : memref<4096xf32, #tpu.memory_space<vmem>>) dst(%dma_wait3A_467 : memref<4096xf32, #tpu.memory_space<hbm>>)
      } else {
      }
      %parallel_loop3A_217 = arith.constant 0 : i32
      %parallel_loop3A_218 = arith.constant 256 : i32
      %parallel_loop3A_219 = arith.constant 1 : i32
      scf.for %parallel_loop3A_457 = %parallel_loop3A_217 to %parallel_loop3A_218 step %parallel_loop3A_219  : i32 {
        %parallel_loop3A_458 = arith.constant 2048 : i32
        %parallel_loop3A_459 = vector.broadcast %parallel_loop3A_458 : i32 to vector<16xi32>
        %parallel_loop3A_460 = arith.xori %xor3A, %parallel_loop3A_459 : vector<16xi32>
        %parallel_loop3A_461 = arith.constant 2 : i32
        %parallel_loop3A_462 = arith.muli %parallel_loop3A_457, %parallel_loop3A_461 : i32
        %parallel_loop3A_463 = arith.xori %parallel_loop3A_462, %parallel_loop3A_457 : i32
        %parallel_loop3A_464 = arith.constant 8 : i32
        %parallel_loop3A_465 = arith.muli %parallel_loop3A_463, %parallel_loop3A_464 : i32
        %parallel_loop3A_466 = vector.broadcast %parallel_loop3A_465 : i32 to vector<16xi32>
        %parallel_loop3A_467 = arith.xori %parallel_loop3A_460, %parallel_loop3A_466 : vector<16xi32>
        %parallel_loop3A_468 = tpu.vector_load_idx %arg5[%parallel_loop3A_467] : memref<4096xf32, #tpu.memory_space<vmem>>[vector<16xi32>], vector<16xf32>,
        %parallel_loop3A_469 = arith.constant 16 : i32
        %parallel_loop3A_470 = arith.muli %parallel_loop3A_457, %parallel_loop3A_469 : i32
        %parallel_loop3A_471 = arith.index_cast %parallel_loop3A_470 : i32 to index
        %parallel_loop3A_472 = tpu.vector_load %arg13[%parallel_loop3A_471] {strides = array<i32>} : memref<4096xf32, #tpu.memory_space<vmem>>, vector<16xf32>,
        tpu.vector_store %arg13[%parallel_loop3A_471], %parallel_loop3A_468 {strides = array<i32>} : memref<4096xf32, #tpu.memory_space<vmem>>, vector<16xf32>,
      } {sc.loop_unroll_factor = 8 : i64, sc.parallel_access}
      %mul3A_220 = arith.constant 4096 : i32
      %mul3A_221 = arith.muli %add3A_201, %mul3A_220 : i32
      %dma_start3A_222 = arith.constant 0 : i32
      %dma_start3A_223 = tpu.memref_slice %arg3[%add3A, %dma_start3A_222] : memref<32x1048576xf32, #tpu.memory_space<hbm>> -> memref<1x1048576xf32, #tpu.memory_space<hbm>>
      %dma_start3A_224 = tpu.memref_squeeze %dma_start3A_223 : memref<1x1048576xf32, #tpu.memory_space<hbm>> -> memref<1048576xf32, #tpu.memory_space<hbm>>
      %dma_start3A_225 = tpu.memref_slice %dma_start3A_224[%mul3A_221] : memref<1048576xf32, #tpu.memory_space<hbm>> -> memref<4096xf32, #tpu.memory_space<hbm>>
      %dma_start3A_226 = arith.constant 0 : i32
      %dma_start3A_227 = tpu.memref_slice %arg3[%add3A, %dma_start3A_226] : memref<32x1048576xf32, #tpu.memory_space<hbm>> -> memref<1x1048576xf32, #tpu.memory_space<hbm>>
      %dma_start3A_228 = tpu.memref_squeeze %dma_start3A_227 : memref<1x1048576xf32, #tpu.memory_space<hbm>> -> memref<1048576xf32, #tpu.memory_space<hbm>>
      %dma_start3A_229 = tpu.memref_slice %dma_start3A_228[%mul3A_221] : memref<1048576xf32, #tpu.memory_space<hbm>> -> memref<4096xf32, #tpu.memory_space<hbm>>
      tpu.enqueue_dma source(%arg13 : memref<4096xf32, #tpu.memory_space<vmem>>) target(%dma_start3A_229 : memref<4096xf32, #tpu.memory_space<hbm>>) target_semaphore(%arg29 : memref<!tpu.dma_semaphore, #tpu.memory_space<semaphore_mem>>)
      %lt3A_230 = arith.constant 31 : i32
      %lt3A_231 = arith.cmpi slt, %scan3A_165, %lt3A_230 : i32
      %convert_element_type3A_232 = arith.extui %lt3A_231 : i1 to i32
      %cond3A_233 = arith.constant 0 : i32
      %cond3A_234 = arith.cmpi ne, %convert_element_type3A_232, %cond3A_233 : i32
      scf.if %cond3A_234 {
        %add3A_457 = arith.constant 8 : i32
        %add3A_458 = arith.addi %add3A_201, %add3A_457 : i32
        %shift_right_arithmetic3A_459 = arith.constant 1 : i32
        %shift_right_arithmetic3A_460 = arith.shrsi %add3A_458, %shift_right_arithmetic3A_459 : i32
        %xor3A_461 = arith.xori %add3A_458, %shift_right_arithmetic3A_460 : i32
        %mul3A_462 = arith.constant 4096 : i32
        %mul3A_463 = arith.muli %xor3A_461, %mul3A_462 : i32
        %dma_start3A_464 = arith.constant 0 : i32
        %dma_start3A_465 = tpu.memref_slice %arg2[%add3A, %dma_start3A_464] : memref<32x1048576xf32, #tpu.memory_space<hbm>> -> memref<1x1048576xf32, #tpu.memory_space<hbm>>
        %dma_start3A_466 = tpu.memref_squeeze %dma_start3A_465 : memref<1x1048576xf32, #tpu.memory_space<hbm>> -> memref<1048576xf32, #tpu.memory_space<hbm>>
        %dma_start3A_467 = tpu.memref_slice %dma_start3A_466[%mul3A_463] : memref<1048576xf32, #tpu.memory_space<hbm>> -> memref<4096xf32, #tpu.memory_space<hbm>>
        %dma_start3A_468 = arith.constant 0 : i32
        %dma_start3A_469 = tpu.memref_slice %arg2[%add3A, %dma_start3A_468] : memref<32x1048576xf32, #tpu.memory_space<hbm>> -> memref<1x1048576xf32, #tpu.memory_space<hbm>>
        %dma_start3A_470 = tpu.memref_squeeze %dma_start3A_469 : memref<1x1048576xf32, #tpu.memory_space<hbm>> -> memref<1048576xf32, #tpu.memory_space<hbm>>
        %dma_start3A_471 = tpu.memref_slice %dma_start3A_470[%mul3A_463] : memref<1048576xf32, #tpu.memory_space<hbm>> -> memref<4096xf32, #tpu.memory_space<hbm>>
        tpu.enqueue_dma source(%dma_start3A_471 : memref<4096xf32, #tpu.memory_space<hbm>>) target(%arg5 : memref<4096xf32, #tpu.memory_space<vmem>>) target_semaphore(%arg21 : memref<!tpu.dma_semaphore, #tpu.memory_space<semaphore_mem>>)
      } else {
      }
      %mul3A_235 = arith.constant 8 : i32
      %mul3A_236 = arith.muli %scan3A_165, %mul3A_235 : i32
      %add3A_237 = arith.constant 2 : i32
      %add3A_238 = arith.addi %mul3A_236, %add3A_237 : i32
      %dma_wait3A_239 = arith.constant 0 : i32
      %dma_wait3A_240 = tpu.memref_slice %arg2[%add3A, %dma_wait3A_239] : memref<32x1048576xf32, #tpu.memory_space<hbm>> -> memref<1x1048576xf32, #tpu.memory_space<hbm>>
      %dma_wait3A_241 = tpu.memref_squeeze %dma_wait3A_240 : memref<1x1048576xf32, #tpu.memory_space<hbm>> -> memref<1048576xf32, #tpu.memory_space<hbm>>
      %dma_wait3A_242 = arith.constant 0 : i32
      %dma_wait3A_243 = tpu.memref_slice %dma_wait3A_241[%dma_wait3A_242] : memref<1048576xf32, #tpu.memory_space<hbm>> -> memref<4096xf32, #tpu.memory_space<hbm>>
      %dma_wait3A_244 = arith.constant 0 : i32
      %dma_wait3A_245 = tpu.memref_slice %arg2[%add3A, %dma_wait3A_244] : memref<32x1048576xf32, #tpu.memory_space<hbm>> -> memref<1x1048576xf32, #tpu.memory_space<hbm>>
      %dma_wait3A_246 = tpu.memref_squeeze %dma_wait3A_245 : memref<1x1048576xf32, #tpu.memory_space<hbm>> -> memref<1048576xf32, #tpu.memory_space<hbm>>
      %dma_wait3A_247 = arith.constant 0 : i32
      %dma_wait3A_248 = tpu.memref_slice %dma_wait3A_246[%dma_wait3A_247] : memref<1048576xf32, #tpu.memory_space<hbm>> -> memref<4096xf32, #tpu.memory_space<hbm>>
      tpu.wait_dma2 semaphore(%arg22 : memref<!tpu.dma_semaphore, #tpu.memory_space<semaphore_mem>>) src(%dma_wait3A_248 : memref<4096xf32, #tpu.memory_space<hbm>>) dst(%arg6 : memref<4096xf32, #tpu.memory_space<vmem>>)
      %gt3A_249 = arith.constant 0 : i32
      %gt3A_250 = arith.cmpi sgt, %scan3A_165, %gt3A_249 : i32
      %convert_element_type3A_251 = arith.extui %gt3A_250 : i1 to i32
      %cond3A_252 = arith.constant 0 : i32
      %cond3A_253 = arith.cmpi ne, %convert_element_type3A_251, %cond3A_252 : i32
      scf.if %cond3A_253 {
        %sub3A = arith.constant 8 : i32
        %sub3A_457 = arith.subi %add3A_238, %sub3A : i32
        %mul3A_458 = arith.constant 4096 : i32
        %mul3A_459 = arith.muli %sub3A_457, %mul3A_458 : i32
        %dma_wait3A_460 = arith.constant 0 : i32
        %dma_wait3A_461 = tpu.memref_slice %arg3[%add3A, %dma_wait3A_460] : memref<32x1048576xf32, #tpu.memory_space<hbm>> -> memref<1x1048576xf32, #tpu.memory_space<hbm>>
        %dma_wait3A_462 = tpu.memref_squeeze %dma_wait3A_461 : memref<1x1048576xf32, #tpu.memory_space<hbm>> -> memref<1048576xf32, #tpu.memory_space<hbm>>
        %dma_wait3A_463 = tpu.memref_slice %dma_wait3A_462[%mul3A_459] : memref<1048576xf32, #tpu.memory_space<hbm>> -> memref<4096xf32, #tpu.memory_space<hbm>>
        %dma_wait3A_464 = arith.constant 0 : i32
        %dma_wait3A_465 = tpu.memref_slice %arg3[%add3A, %dma_wait3A_464] : memref<32x1048576xf32, #tpu.memory_space<hbm>> -> memref<1x1048576xf32, #tpu.memory_space<hbm>>
        %dma_wait3A_466 = tpu.memref_squeeze %dma_wait3A_465 : memref<1x1048576xf32, #tpu.memory_space<hbm>> -> memref<1048576xf32, #tpu.memory_space<hbm>>
        %dma_wait3A_467 = tpu.memref_slice %dma_wait3A_466[%mul3A_459] : memref<1048576xf32, #tpu.memory_space<hbm>> -> memref<4096xf32, #tpu.memory_space<hbm>>
        tpu.wait_dma2 semaphore(%arg30 : memref<!tpu.dma_semaphore, #tpu.memory_space<semaphore_mem>>) src(%arg14 : memref<4096xf32, #tpu.memory_space<vmem>>) dst(%dma_wait3A_467 : memref<4096xf32, #tpu.memory_space<hbm>>)
      } else {
      }
      %parallel_loop3A_254 = arith.constant 0 : i32
      %parallel_loop3A_255 = arith.constant 256 : i32
      %parallel_loop3A_256 = arith.constant 1 : i32
      scf.for %parallel_loop3A_457 = %parallel_loop3A_254 to %parallel_loop3A_255 step %parallel_loop3A_256  : i32 {
        %parallel_loop3A_458 = arith.constant 0 : i32
        %parallel_loop3A_459 = vector.broadcast %parallel_loop3A_458 : i32 to vector<16xi32>
        %parallel_loop3A_460 = arith.xori %xor3A, %parallel_loop3A_459 : vector<16xi32>
        %parallel_loop3A_461 = arith.constant 2 : i32
        %parallel_loop3A_462 = arith.muli %parallel_loop3A_457, %parallel_loop3A_461 : i32
        %parallel_loop3A_463 = arith.xori %parallel_loop3A_462, %parallel_loop3A_457 : i32
        %parallel_loop3A_464 = arith.constant 8 : i32
        %parallel_loop3A_465 = arith.muli %parallel_loop3A_463, %parallel_loop3A_464 : i32
        %parallel_loop3A_466 = vector.broadcast %parallel_loop3A_465 : i32 to vector<16xi32>
        %parallel_loop3A_467 = arith.xori %parallel_loop3A_460, %parallel_loop3A_466 : vector<16xi32>
        %parallel_loop3A_468 = tpu.vector_load_idx %arg6[%parallel_loop3A_467] : memref<4096xf32, #tpu.memory_space<vmem>>[vector<16xi32>], vector<16xf32>,
        %parallel_loop3A_469 = arith.constant 16 : i32
        %parallel_loop3A_470 = arith.muli %parallel_loop3A_457, %parallel_loop3A_469 : i32
        %parallel_loop3A_471 = arith.index_cast %parallel_loop3A_470 : i32 to index
        %parallel_loop3A_472 = tpu.vector_load %arg14[%parallel_loop3A_471] {strides = array<i32>} : memref<4096xf32, #tpu.memory_space<vmem>>, vector<16xf32>,
        tpu.vector_store %arg14[%parallel_loop3A_471], %parallel_loop3A_468 {strides = array<i32>} : memref<4096xf32, #tpu.memory_space<vmem>>, vector<16xf32>,
      } {sc.loop_unroll_factor = 8 : i64, sc.parallel_access}
      %mul3A_257 = arith.constant 4096 : i32
      %mul3A_258 = arith.muli %add3A_238, %mul3A_257 : i32
      %dma_start3A_259 = arith.constant 0 : i32
      %dma_start3A_260 = tpu.memref_slice %arg3[%add3A, %dma_start3A_259] : memref<32x1048576xf32, #tpu.memory_space<hbm>> -> memref<1x1048576xf32, #tpu.memory_space<hbm>>
      %dma_start3A_261 = tpu.memref_squeeze %dma_start3A_260 : memref<1x1048576xf32, #tpu.memory_space<hbm>> -> memref<1048576xf32, #tpu.memory_space<hbm>>
      %dma_start3A_262 = tpu.memref_slice %dma_start3A_261[%mul3A_258] : memref<1048576xf32, #tpu.memory_space<hbm>> -> memref<4096xf32, #tpu.memory_space<hbm>>
      %dma_start3A_263 = arith.constant 0 : i32
      %dma_start3A_264 = tpu.memref_slice %arg3[%add3A, %dma_start3A_263] : memref<32x1048576xf32, #tpu.memory_space<hbm>> -> memref<1x1048576xf32, #tpu.memory_space<hbm>>
      %dma_start3A_265 = tpu.memref_squeeze %dma_start3A_264 : memref<1x1048576xf32, #tpu.memory_space<hbm>> -> memref<1048576xf32, #tpu.memory_space<hbm>>
      %dma_start3A_266 = tpu.memref_slice %dma_start3A_265[%mul3A_258] : memref<1048576xf32, #tpu.memory_space<hbm>> -> memref<4096xf32, #tpu.memory_space<hbm>>
      tpu.enqueue_dma source(%arg14 : memref<4096xf32, #tpu.memory_space<vmem>>) target(%dma_start3A_266 : memref<4096xf32, #tpu.memory_space<hbm>>) target_semaphore(%arg30 : memref<!tpu.dma_semaphore, #tpu.memory_space<semaphore_mem>>)
      %lt3A_267 = arith.constant 31 : i32
      %lt3A_268 = arith.cmpi slt, %scan3A_165, %lt3A_267 : i32
      %convert_element_type3A_269 = arith.extui %lt3A_268 : i1 to i32
      %cond3A_270 = arith.constant 0 : i32
      %cond3A_271 = arith.cmpi ne, %convert_element_type3A_269, %cond3A_270 : i32
      scf.if %cond3A_271 {
        %add3A_457 = arith.constant 8 : i32
        %add3A_458 = arith.addi %add3A_238, %add3A_457 : i32
        %shift_right_arithmetic3A_459 = arith.constant 1 : i32
        %shift_right_arithmetic3A_460 = arith.shrsi %add3A_458, %shift_right_arithmetic3A_459 : i32
        %xor3A_461 = arith.xori %add3A_458, %shift_right_arithmetic3A_460 : i32
        %mul3A_462 = arith.constant 4096 : i32
        %mul3A_463 = arith.muli %xor3A_461, %mul3A_462 : i32
        %dma_start3A_464 = arith.constant 0 : i32
        %dma_start3A_465 = tpu.memref_slice %arg2[%add3A, %dma_start3A_464] : memref<32x1048576xf32, #tpu.memory_space<hbm>> -> memref<1x1048576xf32, #tpu.memory_space<hbm>>
        %dma_start3A_466 = tpu.memref_squeeze %dma_start3A_465 : memref<1x1048576xf32, #tpu.memory_space<hbm>> -> memref<1048576xf32, #tpu.memory_space<hbm>>
        %dma_start3A_467 = tpu.memref_slice %dma_start3A_466[%mul3A_463] : memref<1048576xf32, #tpu.memory_space<hbm>> -> memref<4096xf32, #tpu.memory_space<hbm>>
        %dma_start3A_468 = arith.constant 0 : i32
        %dma_start3A_469 = tpu.memref_slice %arg2[%add3A, %dma_start3A_468] : memref<32x1048576xf32, #tpu.memory_space<hbm>> -> memref<1x1048576xf32, #tpu.memory_space<hbm>>
        %dma_start3A_470 = tpu.memref_squeeze %dma_start3A_469 : memref<1x1048576xf32, #tpu.memory_space<hbm>> -> memref<1048576xf32, #tpu.memory_space<hbm>>
        %dma_start3A_471 = tpu.memref_slice %dma_start3A_470[%mul3A_463] : memref<1048576xf32, #tpu.memory_space<hbm>> -> memref<4096xf32, #tpu.memory_space<hbm>>
        tpu.enqueue_dma source(%dma_start3A_471 : memref<4096xf32, #tpu.memory_space<hbm>>) target(%arg6 : memref<4096xf32, #tpu.memory_space<vmem>>) target_semaphore(%arg22 : memref<!tpu.dma_semaphore, #tpu.memory_space<semaphore_mem>>)
      } else {
      }
      %mul3A_272 = arith.constant 8 : i32
      %mul3A_273 = arith.muli %scan3A_165, %mul3A_272 : i32
      %add3A_274 = arith.constant 3 : i32
      %add3A_275 = arith.addi %mul3A_273, %add3A_274 : i32
      %dma_wait3A_276 = arith.constant 0 : i32
      %dma_wait3A_277 = tpu.memref_slice %arg2[%add3A, %dma_wait3A_276] : memref<32x1048576xf32, #tpu.memory_space<hbm>> -> memref<1x1048576xf32, #tpu.memory_space<hbm>>
      %dma_wait3A_278 = tpu.memref_squeeze %dma_wait3A_277 : memref<1x1048576xf32, #tpu.memory_space<hbm>> -> memref<1048576xf32, #tpu.memory_space<hbm>>
      %dma_wait3A_279 = arith.constant 0 : i32
      %dma_wait3A_280 = tpu.memref_slice %dma_wait3A_278[%dma_wait3A_279] : memref<1048576xf32, #tpu.memory_space<hbm>> -> memref<4096xf32, #tpu.memory_space<hbm>>
      %dma_wait3A_281 = arith.constant 0 : i32
      %dma_wait3A_282 = tpu.memref_slice %arg2[%add3A, %dma_wait3A_281] : memref<32x1048576xf32, #tpu.memory_space<hbm>> -> memref<1x1048576xf32, #tpu.memory_space<hbm>>
      %dma_wait3A_283 = tpu.memref_squeeze %dma_wait3A_282 : memref<1x1048576xf32, #tpu.memory_space<hbm>> -> memref<1048576xf32, #tpu.memory_space<hbm>>
      %dma_wait3A_284 = arith.constant 0 : i32
      %dma_wait3A_285 = tpu.memref_slice %dma_wait3A_283[%dma_wait3A_284] : memref<1048576xf32, #tpu.memory_space<hbm>> -> memref<4096xf32, #tpu.memory_space<hbm>>
      tpu.wait_dma2 semaphore(%arg23 : memref<!tpu.dma_semaphore, #tpu.memory_space<semaphore_mem>>) src(%dma_wait3A_285 : memref<4096xf32, #tpu.memory_space<hbm>>) dst(%arg7 : memref<4096xf32, #tpu.memory_space<vmem>>)
      %gt3A_286 = arith.constant 0 : i32
      %gt3A_287 = arith.cmpi sgt, %scan3A_165, %gt3A_286 : i32
      %convert_element_type3A_288 = arith.extui %gt3A_287 : i1 to i32
      %cond3A_289 = arith.constant 0 : i32
      %cond3A_290 = arith.cmpi ne, %convert_element_type3A_288, %cond3A_289 : i32
      scf.if %cond3A_290 {
        %sub3A = arith.constant 8 : i32
        %sub3A_457 = arith.subi %add3A_275, %sub3A : i32
        %mul3A_458 = arith.constant 4096 : i32
        %mul3A_459 = arith.muli %sub3A_457, %mul3A_458 : i32
        %dma_wait3A_460 = arith.constant 0 : i32
        %dma_wait3A_461 = tpu.memref_slice %arg3[%add3A, %dma_wait3A_460] : memref<32x1048576xf32, #tpu.memory_space<hbm>> -> memref<1x1048576xf32, #tpu.memory_space<hbm>>
        %dma_wait3A_462 = tpu.memref_squeeze %dma_wait3A_461 : memref<1x1048576xf32, #tpu.memory_space<hbm>> -> memref<1048576xf32, #tpu.memory_space<hbm>>
        %dma_wait3A_463 = tpu.memref_slice %dma_wait3A_462[%mul3A_459] : memref<1048576xf32, #tpu.memory_space<hbm>> -> memref<4096xf32, #tpu.memory_space<hbm>>
        %dma_wait3A_464 = arith.constant 0 : i32
        %dma_wait3A_465 = tpu.memref_slice %arg3[%add3A, %dma_wait3A_464] : memref<32x1048576xf32, #tpu.memory_space<hbm>> -> memref<1x1048576xf32, #tpu.memory_space<hbm>>
        %dma_wait3A_466 = tpu.memref_squeeze %dma_wait3A_465 : memref<1x1048576xf32, #tpu.memory_space<hbm>> -> memref<1048576xf32, #tpu.memory_space<hbm>>
        %dma_wait3A_467 = tpu.memref_slice %dma_wait3A_466[%mul3A_459] : memref<1048576xf32, #tpu.memory_space<hbm>> -> memref<4096xf32, #tpu.memory_space<hbm>>
        tpu.wait_dma2 semaphore(%arg31 : memref<!tpu.dma_semaphore, #tpu.memory_space<semaphore_mem>>) src(%arg15 : memref<4096xf32, #tpu.memory_space<vmem>>) dst(%dma_wait3A_467 : memref<4096xf32, #tpu.memory_space<hbm>>)
      } else {
      }
      %parallel_loop3A_291 = arith.constant 0 : i32
      %parallel_loop3A_292 = arith.constant 256 : i32
      %parallel_loop3A_293 = arith.constant 1 : i32
      scf.for %parallel_loop3A_457 = %parallel_loop3A_291 to %parallel_loop3A_292 step %parallel_loop3A_293  : i32 {
        %parallel_loop3A_458 = arith.constant 2048 : i32
        %parallel_loop3A_459 = vector.broadcast %parallel_loop3A_458 : i32 to vector<16xi32>
        %parallel_loop3A_460 = arith.xori %xor3A, %parallel_loop3A_459 : vector<16xi32>
        %parallel_loop3A_461 = arith.constant 2 : i32
        %parallel_loop3A_462 = arith.muli %parallel_loop3A_457, %parallel_loop3A_461 : i32
        %parallel_loop3A_463 = arith.xori %parallel_loop3A_462, %parallel_loop3A_457 : i32
        %parallel_loop3A_464 = arith.constant 8 : i32
        %parallel_loop3A_465 = arith.muli %parallel_loop3A_463, %parallel_loop3A_464 : i32
        %parallel_loop3A_466 = vector.broadcast %parallel_loop3A_465 : i32 to vector<16xi32>
        %parallel_loop3A_467 = arith.xori %parallel_loop3A_460, %parallel_loop3A_466 : vector<16xi32>
        %parallel_loop3A_468 = tpu.vector_load_idx %arg7[%parallel_loop3A_467] : memref<4096xf32, #tpu.memory_space<vmem>>[vector<16xi32>], vector<16xf32>,
        %parallel_loop3A_469 = arith.constant 16 : i32
        %parallel_loop3A_470 = arith.muli %parallel_loop3A_457, %parallel_loop3A_469 : i32
        %parallel_loop3A_471 = arith.index_cast %parallel_loop3A_470 : i32 to index
        %parallel_loop3A_472 = tpu.vector_load %arg15[%parallel_loop3A_471] {strides = array<i32>} : memref<4096xf32, #tpu.memory_space<vmem>>, vector<16xf32>,
        tpu.vector_store %arg15[%parallel_loop3A_471], %parallel_loop3A_468 {strides = array<i32>} : memref<4096xf32, #tpu.memory_space<vmem>>, vector<16xf32>,
      } {sc.loop_unroll_factor = 8 : i64, sc.parallel_access}
      %mul3A_294 = arith.constant 4096 : i32
      %mul3A_295 = arith.muli %add3A_275, %mul3A_294 : i32
      %dma_start3A_296 = arith.constant 0 : i32
      %dma_start3A_297 = tpu.memref_slice %arg3[%add3A, %dma_start3A_296] : memref<32x1048576xf32, #tpu.memory_space<hbm>> -> memref<1x1048576xf32, #tpu.memory_space<hbm>>
      %dma_start3A_298 = tpu.memref_squeeze %dma_start3A_297 : memref<1x1048576xf32, #tpu.memory_space<hbm>> -> memref<1048576xf32, #tpu.memory_space<hbm>>
      %dma_start3A_299 = tpu.memref_slice %dma_start3A_298[%mul3A_295] : memref<1048576xf32, #tpu.memory_space<hbm>> -> memref<4096xf32, #tpu.memory_space<hbm>>
      %dma_start3A_300 = arith.constant 0 : i32
      %dma_start3A_301 = tpu.memref_slice %arg3[%add3A, %dma_start3A_300] : memref<32x1048576xf32, #tpu.memory_space<hbm>> -> memref<1x1048576xf32, #tpu.memory_space<hbm>>
      %dma_start3A_302 = tpu.memref_squeeze %dma_start3A_301 : memref<1x1048576xf32, #tpu.memory_space<hbm>> -> memref<1048576xf32, #tpu.memory_space<hbm>>
      %dma_start3A_303 = tpu.memref_slice %dma_start3A_302[%mul3A_295] : memref<1048576xf32, #tpu.memory_space<hbm>> -> memref<4096xf32, #tpu.memory_space<hbm>>
      tpu.enqueue_dma source(%arg15 : memref<4096xf32, #tpu.memory_space<vmem>>) target(%dma_start3A_303 : memref<4096xf32, #tpu.memory_space<hbm>>) target_semaphore(%arg31 : memref<!tpu.dma_semaphore, #tpu.memory_space<semaphore_mem>>)
      %lt3A_304 = arith.constant 31 : i32
      %lt3A_305 = arith.cmpi slt, %scan3A_165, %lt3A_304 : i32
      %convert_element_type3A_306 = arith.extui %lt3A_305 : i1 to i32
      %cond3A_307 = arith.constant 0 : i32
      %cond3A_308 = arith.cmpi ne, %convert_element_type3A_306, %cond3A_307 : i32
      scf.if %cond3A_308 {
        %add3A_457 = arith.constant 8 : i32
        %add3A_458 = arith.addi %add3A_275, %add3A_457 : i32
        %shift_right_arithmetic3A_459 = arith.constant 1 : i32
        %shift_right_arithmetic3A_460 = arith.shrsi %add3A_458, %shift_right_arithmetic3A_459 : i32
        %xor3A_461 = arith.xori %add3A_458, %shift_right_arithmetic3A_460 : i32
        %mul3A_462 = arith.constant 4096 : i32
        %mul3A_463 = arith.muli %xor3A_461, %mul3A_462 : i32
        %dma_start3A_464 = arith.constant 0 : i32
        %dma_start3A_465 = tpu.memref_slice %arg2[%add3A, %dma_start3A_464] : memref<32x1048576xf32, #tpu.memory_space<hbm>> -> memref<1x1048576xf32, #tpu.memory_space<hbm>>
        %dma_start3A_466 = tpu.memref_squeeze %dma_start3A_465 : memref<1x1048576xf32, #tpu.memory_space<hbm>> -> memref<1048576xf32, #tpu.memory_space<hbm>>
        %dma_start3A_467 = tpu.memref_slice %dma_start3A_466[%mul3A_463] : memref<1048576xf32, #tpu.memory_space<hbm>> -> memref<4096xf32, #tpu.memory_space<hbm>>
        %dma_start3A_468 = arith.constant 0 : i32
        %dma_start3A_469 = tpu.memref_slice %arg2[%add3A, %dma_start3A_468] : memref<32x1048576xf32, #tpu.memory_space<hbm>> -> memref<1x1048576xf32, #tpu.memory_space<hbm>>
        %dma_start3A_470 = tpu.memref_squeeze %dma_start3A_469 : memref<1x1048576xf32, #tpu.memory_space<hbm>> -> memref<1048576xf32, #tpu.memory_space<hbm>>
        %dma_start3A_471 = tpu.memref_slice %dma_start3A_470[%mul3A_463] : memref<1048576xf32, #tpu.memory_space<hbm>> -> memref<4096xf32, #tpu.memory_space<hbm>>
        tpu.enqueue_dma source(%dma_start3A_471 : memref<4096xf32, #tpu.memory_space<hbm>>) target(%arg7 : memref<4096xf32, #tpu.memory_space<vmem>>) target_semaphore(%arg23 : memref<!tpu.dma_semaphore, #tpu.memory_space<semaphore_mem>>)
      } else {
      }
      %mul3A_309 = arith.constant 8 : i32
      %mul3A_310 = arith.muli %scan3A_165, %mul3A_309 : i32
      %add3A_311 = arith.constant 4 : i32
      %add3A_312 = arith.addi %mul3A_310, %add3A_311 : i32
      %dma_wait3A_313 = arith.constant 0 : i32
      %dma_wait3A_314 = tpu.memref_slice %arg2[%add3A, %dma_wait3A_313] : memref<32x1048576xf32, #tpu.memory_space<hbm>> -> memref<1x1048576xf32, #tpu.memory_space<hbm>>
      %dma_wait3A_315 = tpu.memref_squeeze %dma_wait3A_314 : memref<1x1048576xf32, #tpu.memory_space<hbm>> -> memref<1048576xf32, #tpu.memory_space<hbm>>
      %dma_wait3A_316 = arith.constant 0 : i32
      %dma_wait3A_317 = tpu.memref_slice %dma_wait3A_315[%dma_wait3A_316] : memref<1048576xf32, #tpu.memory_space<hbm>> -> memref<4096xf32, #tpu.memory_space<hbm>>
      %dma_wait3A_318 = arith.constant 0 : i32
      %dma_wait3A_319 = tpu.memref_slice %arg2[%add3A, %dma_wait3A_318] : memref<32x1048576xf32, #tpu.memory_space<hbm>> -> memref<1x1048576xf32, #tpu.memory_space<hbm>>
      %dma_wait3A_320 = tpu.memref_squeeze %dma_wait3A_319 : memref<1x1048576xf32, #tpu.memory_space<hbm>> -> memref<1048576xf32, #tpu.memory_space<hbm>>
      %dma_wait3A_321 = arith.constant 0 : i32
      %dma_wait3A_322 = tpu.memref_slice %dma_wait3A_320[%dma_wait3A_321] : memref<1048576xf32, #tpu.memory_space<hbm>> -> memref<4096xf32, #tpu.memory_space<hbm>>
      tpu.wait_dma2 semaphore(%arg24 : memref<!tpu.dma_semaphore, #tpu.memory_space<semaphore_mem>>) src(%dma_wait3A_322 : memref<4096xf32, #tpu.memory_space<hbm>>) dst(%arg8 : memref<4096xf32, #tpu.memory_space<vmem>>)
      %gt3A_323 = arith.constant 0 : i32
      %gt3A_324 = arith.cmpi sgt, %scan3A_165, %gt3A_323 : i32
      %convert_element_type3A_325 = arith.extui %gt3A_324 : i1 to i32
      %cond3A_326 = arith.constant 0 : i32
      %cond3A_327 = arith.cmpi ne, %convert_element_type3A_325, %cond3A_326 : i32
      scf.if %cond3A_327 {
        %sub3A = arith.constant 8 : i32
        %sub3A_457 = arith.subi %add3A_312, %sub3A : i32
        %mul3A_458 = arith.constant 4096 : i32
        %mul3A_459 = arith.muli %sub3A_457, %mul3A_458 : i32
        %dma_wait3A_460 = arith.constant 0 : i32
        %dma_wait3A_461 = tpu.memref_slice %arg3[%add3A, %dma_wait3A_460] : memref<32x1048576xf32, #tpu.memory_space<hbm>> -> memref<1x1048576xf32, #tpu.memory_space<hbm>>
        %dma_wait3A_462 = tpu.memref_squeeze %dma_wait3A_461 : memref<1x1048576xf32, #tpu.memory_space<hbm>> -> memref<1048576xf32, #tpu.memory_space<hbm>>
        %dma_wait3A_463 = tpu.memref_slice %dma_wait3A_462[%mul3A_459] : memref<1048576xf32, #tpu.memory_space<hbm>> -> memref<4096xf32, #tpu.memory_space<hbm>>
        %dma_wait3A_464 = arith.constant 0 : i32
        %dma_wait3A_465 = tpu.memref_slice %arg3[%add3A, %dma_wait3A_464] : memref<32x1048576xf32, #tpu.memory_space<hbm>> -> memref<1x1048576xf32, #tpu.memory_space<hbm>>
        %dma_wait3A_466 = tpu.memref_squeeze %dma_wait3A_465 : memref<1x1048576xf32, #tpu.memory_space<hbm>> -> memref<1048576xf32, #tpu.memory_space<hbm>>
        %dma_wait3A_467 = tpu.memref_slice %dma_wait3A_466[%mul3A_459] : memref<1048576xf32, #tpu.memory_space<hbm>> -> memref<4096xf32, #tpu.memory_space<hbm>>
        tpu.wait_dma2 semaphore(%arg32 : memref<!tpu.dma_semaphore, #tpu.memory_space<semaphore_mem>>) src(%arg16 : memref<4096xf32, #tpu.memory_space<vmem>>) dst(%dma_wait3A_467 : memref<4096xf32, #tpu.memory_space<hbm>>)
      } else {
      }
      %parallel_loop3A_328 = arith.constant 0 : i32
      %parallel_loop3A_329 = arith.constant 256 : i32
      %parallel_loop3A_330 = arith.constant 1 : i32
      scf.for %parallel_loop3A_457 = %parallel_loop3A_328 to %parallel_loop3A_329 step %parallel_loop3A_330  : i32 {
        %parallel_loop3A_458 = arith.constant 0 : i32
        %parallel_loop3A_459 = vector.broadcast %parallel_loop3A_458 : i32 to vector<16xi32>
        %parallel_loop3A_460 = arith.xori %xor3A, %parallel_loop3A_459 : vector<16xi32>
        %parallel_loop3A_461 = arith.constant 2 : i32
        %parallel_loop3A_462 = arith.muli %parallel_loop3A_457, %parallel_loop3A_461 : i32
        %parallel_loop3A_463 = arith.xori %parallel_loop3A_462, %parallel_loop3A_457 : i32
        %parallel_loop3A_464 = arith.constant 8 : i32
        %parallel_loop3A_465 = arith.muli %parallel_loop3A_463, %parallel_loop3A_464 : i32
        %parallel_loop3A_466 = vector.broadcast %parallel_loop3A_465 : i32 to vector<16xi32>
        %parallel_loop3A_467 = arith.xori %parallel_loop3A_460, %parallel_loop3A_466 : vector<16xi32>
        %parallel_loop3A_468 = tpu.vector_load_idx %arg8[%parallel_loop3A_467] : memref<4096xf32, #tpu.memory_space<vmem>>[vector<16xi32>], vector<16xf32>,
        %parallel_loop3A_469 = arith.constant 16 : i32
        %parallel_loop3A_470 = arith.muli %parallel_loop3A_457, %parallel_loop3A_469 : i32
        %parallel_loop3A_471 = arith.index_cast %parallel_loop3A_470 : i32 to index
        %parallel_loop3A_472 = tpu.vector_load %arg16[%parallel_loop3A_471] {strides = array<i32>} : memref<4096xf32, #tpu.memory_space<vmem>>, vector<16xf32>,
        tpu.vector_store %arg16[%parallel_loop3A_471], %parallel_loop3A_468 {strides = array<i32>} : memref<4096xf32, #tpu.memory_space<vmem>>, vector<16xf32>,
      } {sc.loop_unroll_factor = 8 : i64, sc.parallel_access}
      %mul3A_331 = arith.constant 4096 : i32
      %mul3A_332 = arith.muli %add3A_312, %mul3A_331 : i32
      %dma_start3A_333 = arith.constant 0 : i32
      %dma_start3A_334 = tpu.memref_slice %arg3[%add3A, %dma_start3A_333] : memref<32x1048576xf32, #tpu.memory_space<hbm>> -> memref<1x1048576xf32, #tpu.memory_space<hbm>>
      %dma_start3A_335 = tpu.memref_squeeze %dma_start3A_334 : memref<1x1048576xf32, #tpu.memory_space<hbm>> -> memref<1048576xf32, #tpu.memory_space<hbm>>
      %dma_start3A_336 = tpu.memref_slice %dma_start3A_335[%mul3A_332] : memref<1048576xf32, #tpu.memory_space<hbm>> -> memref<4096xf32, #tpu.memory_space<hbm>>
      %dma_start3A_337 = arith.constant 0 : i32
      %dma_start3A_338 = tpu.memref_slice %arg3[%add3A, %dma_start3A_337] : memref<32x1048576xf32, #tpu.memory_space<hbm>> -> memref<1x1048576xf32, #tpu.memory_space<hbm>>
      %dma_start3A_339 = tpu.memref_squeeze %dma_start3A_338 : memref<1x1048576xf32, #tpu.memory_space<hbm>> -> memref<1048576xf32, #tpu.memory_space<hbm>>
      %dma_start3A_340 = tpu.memref_slice %dma_start3A_339[%mul3A_332] : memref<1048576xf32, #tpu.memory_space<hbm>> -> memref<4096xf32, #tpu.memory_space<hbm>>
      tpu.enqueue_dma source(%arg16 : memref<4096xf32, #tpu.memory_space<vmem>>) target(%dma_start3A_340 : memref<4096xf32, #tpu.memory_space<hbm>>) target_semaphore(%arg32 : memref<!tpu.dma_semaphore, #tpu.memory_space<semaphore_mem>>)
      %lt3A_341 = arith.constant 31 : i32
      %lt3A_342 = arith.cmpi slt, %scan3A_165, %lt3A_341 : i32
      %convert_element_type3A_343 = arith.extui %lt3A_342 : i1 to i32
      %cond3A_344 = arith.constant 0 : i32
      %cond3A_345 = arith.cmpi ne, %convert_element_type3A_343, %cond3A_344 : i32
      scf.if %cond3A_345 {
        %add3A_457 = arith.constant 8 : i32
        %add3A_458 = arith.addi %add3A_312, %add3A_457 : i32
        %shift_right_arithmetic3A_459 = arith.constant 1 : i32
        %shift_right_arithmetic3A_460 = arith.shrsi %add3A_458, %shift_right_arithmetic3A_459 : i32
        %xor3A_461 = arith.xori %add3A_458, %shift_right_arithmetic3A_460 : i32
        %mul3A_462 = arith.constant 4096 : i32
        %mul3A_463 = arith.muli %xor3A_461, %mul3A_462 : i32
        %dma_start3A_464 = arith.constant 0 : i32
        %dma_start3A_465 = tpu.memref_slice %arg2[%add3A, %dma_start3A_464] : memref<32x1048576xf32, #tpu.memory_space<hbm>> -> memref<1x1048576xf32, #tpu.memory_space<hbm>>
        %dma_start3A_466 = tpu.memref_squeeze %dma_start3A_465 : memref<1x1048576xf32, #tpu.memory_space<hbm>> -> memref<1048576xf32, #tpu.memory_space<hbm>>
        %dma_start3A_467 = tpu.memref_slice %dma_start3A_466[%mul3A_463] : memref<1048576xf32, #tpu.memory_space<hbm>> -> memref<4096xf32, #tpu.memory_space<hbm>>
        %dma_start3A_468 = arith.constant 0 : i32
        %dma_start3A_469 = tpu.memref_slice %arg2[%add3A, %dma_start3A_468] : memref<32x1048576xf32, #tpu.memory_space<hbm>> -> memref<1x1048576xf32, #tpu.memory_space<hbm>>
        %dma_start3A_470 = tpu.memref_squeeze %dma_start3A_469 : memref<1x1048576xf32, #tpu.memory_space<hbm>> -> memref<1048576xf32, #tpu.memory_space<hbm>>
        %dma_start3A_471 = tpu.memref_slice %dma_start3A_470[%mul3A_463] : memref<1048576xf32, #tpu.memory_space<hbm>> -> memref<4096xf32, #tpu.memory_space<hbm>>
        tpu.enqueue_dma source(%dma_start3A_471 : memref<4096xf32, #tpu.memory_space<hbm>>) target(%arg8 : memref<4096xf32, #tpu.memory_space<vmem>>) target_semaphore(%arg24 : memref<!tpu.dma_semaphore, #tpu.memory_space<semaphore_mem>>)
      } else {
      }
      %mul3A_346 = arith.constant 8 : i32
      %mul3A_347 = arith.muli %scan3A_165, %mul3A_346 : i32
      %add3A_348 = arith.constant 5 : i32
      %add3A_349 = arith.addi %mul3A_347, %add3A_348 : i32
      %dma_wait3A_350 = arith.constant 0 : i32
      %dma_wait3A_351 = tpu.memref_slice %arg2[%add3A, %dma_wait3A_350] : memref<32x1048576xf32, #tpu.memory_space<hbm>> -> memref<1x1048576xf32, #tpu.memory_space<hbm>>
      %dma_wait3A_352 = tpu.memref_squeeze %dma_wait3A_351 : memref<1x1048576xf32, #tpu.memory_space<hbm>> -> memref<1048576xf32, #tpu.memory_space<hbm>>
      %dma_wait3A_353 = arith.constant 0 : i32
      %dma_wait3A_354 = tpu.memref_slice %dma_wait3A_352[%dma_wait3A_353] : memref<1048576xf32, #tpu.memory_space<hbm>> -> memref<4096xf32, #tpu.memory_space<hbm>>
      %dma_wait3A_355 = arith.constant 0 : i32
      %dma_wait3A_356 = tpu.memref_slice %arg2[%add3A, %dma_wait3A_355] : memref<32x1048576xf32, #tpu.memory_space<hbm>> -> memref<1x1048576xf32, #tpu.memory_space<hbm>>
      %dma_wait3A_357 = tpu.memref_squeeze %dma_wait3A_356 : memref<1x1048576xf32, #tpu.memory_space<hbm>> -> memref<1048576xf32, #tpu.memory_space<hbm>>
      %dma_wait3A_358 = arith.constant 0 : i32
      %dma_wait3A_359 = tpu.memref_slice %dma_wait3A_357[%dma_wait3A_358] : memref<1048576xf32, #tpu.memory_space<hbm>> -> memref<4096xf32, #tpu.memory_space<hbm>>
      tpu.wait_dma2 semaphore(%arg25 : memref<!tpu.dma_semaphore, #tpu.memory_space<semaphore_mem>>) src(%dma_wait3A_359 : memref<4096xf32, #tpu.memory_space<hbm>>) dst(%arg9 : memref<4096xf32, #tpu.memory_space<vmem>>)
      %gt3A_360 = arith.constant 0 : i32
      %gt3A_361 = arith.cmpi sgt, %scan3A_165, %gt3A_360 : i32
      %convert_element_type3A_362 = arith.extui %gt3A_361 : i1 to i32
      %cond3A_363 = arith.constant 0 : i32
      %cond3A_364 = arith.cmpi ne, %convert_element_type3A_362, %cond3A_363 : i32
      scf.if %cond3A_364 {
        %sub3A = arith.constant 8 : i32
        %sub3A_457 = arith.subi %add3A_349, %sub3A : i32
        %mul3A_458 = arith.constant 4096 : i32
        %mul3A_459 = arith.muli %sub3A_457, %mul3A_458 : i32
        %dma_wait3A_460 = arith.constant 0 : i32
        %dma_wait3A_461 = tpu.memref_slice %arg3[%add3A, %dma_wait3A_460] : memref<32x1048576xf32, #tpu.memory_space<hbm>> -> memref<1x1048576xf32, #tpu.memory_space<hbm>>
        %dma_wait3A_462 = tpu.memref_squeeze %dma_wait3A_461 : memref<1x1048576xf32, #tpu.memory_space<hbm>> -> memref<1048576xf32, #tpu.memory_space<hbm>>
        %dma_wait3A_463 = tpu.memref_slice %dma_wait3A_462[%mul3A_459] : memref<1048576xf32, #tpu.memory_space<hbm>> -> memref<4096xf32, #tpu.memory_space<hbm>>
        %dma_wait3A_464 = arith.constant 0 : i32
        %dma_wait3A_465 = tpu.memref_slice %arg3[%add3A, %dma_wait3A_464] : memref<32x1048576xf32, #tpu.memory_space<hbm>> -> memref<1x1048576xf32, #tpu.memory_space<hbm>>
        %dma_wait3A_466 = tpu.memref_squeeze %dma_wait3A_465 : memref<1x1048576xf32, #tpu.memory_space<hbm>> -> memref<1048576xf32, #tpu.memory_space<hbm>>
        %dma_wait3A_467 = tpu.memref_slice %dma_wait3A_466[%mul3A_459] : memref<1048576xf32, #tpu.memory_space<hbm>> -> memref<4096xf32, #tpu.memory_space<hbm>>
        tpu.wait_dma2 semaphore(%arg33 : memref<!tpu.dma_semaphore, #tpu.memory_space<semaphore_mem>>) src(%arg17 : memref<4096xf32, #tpu.memory_space<vmem>>) dst(%dma_wait3A_467 : memref<4096xf32, #tpu.memory_space<hbm>>)
      } else {
      }
      %parallel_loop3A_365 = arith.constant 0 : i32
      %parallel_loop3A_366 = arith.constant 256 : i32
      %parallel_loop3A_367 = arith.constant 1 : i32
      scf.for %parallel_loop3A_457 = %parallel_loop3A_365 to %parallel_loop3A_366 step %parallel_loop3A_367  : i32 {
        %parallel_loop3A_458 = arith.constant 2048 : i32
        %parallel_loop3A_459 = vector.broadcast %parallel_loop3A_458 : i32 to vector<16xi32>
        %parallel_loop3A_460 = arith.xori %xor3A, %parallel_loop3A_459 : vector<16xi32>
        %parallel_loop3A_461 = arith.constant 2 : i32
        %parallel_loop3A_462 = arith.muli %parallel_loop3A_457, %parallel_loop3A_461 : i32
        %parallel_loop3A_463 = arith.xori %parallel_loop3A_462, %parallel_loop3A_457 : i32
        %parallel_loop3A_464 = arith.constant 8 : i32
        %parallel_loop3A_465 = arith.muli %parallel_loop3A_463, %parallel_loop3A_464 : i32
        %parallel_loop3A_466 = vector.broadcast %parallel_loop3A_465 : i32 to vector<16xi32>
        %parallel_loop3A_467 = arith.xori %parallel_loop3A_460, %parallel_loop3A_466 : vector<16xi32>
        %parallel_loop3A_468 = tpu.vector_load_idx %arg9[%parallel_loop3A_467] : memref<4096xf32, #tpu.memory_space<vmem>>[vector<16xi32>], vector<16xf32>,
        %parallel_loop3A_469 = arith.constant 16 : i32
        %parallel_loop3A_470 = arith.muli %parallel_loop3A_457, %parallel_loop3A_469 : i32
        %parallel_loop3A_471 = arith.index_cast %parallel_loop3A_470 : i32 to index
        %parallel_loop3A_472 = tpu.vector_load %arg17[%parallel_loop3A_471] {strides = array<i32>} : memref<4096xf32, #tpu.memory_space<vmem>>, vector<16xf32>,
        tpu.vector_store %arg17[%parallel_loop3A_471], %parallel_loop3A_468 {strides = array<i32>} : memref<4096xf32, #tpu.memory_space<vmem>>, vector<16xf32>,
      } {sc.loop_unroll_factor = 8 : i64, sc.parallel_access}
      %mul3A_368 = arith.constant 4096 : i32
      %mul3A_369 = arith.muli %add3A_349, %mul3A_368 : i32
      %dma_start3A_370 = arith.constant 0 : i32
      %dma_start3A_371 = tpu.memref_slice %arg3[%add3A, %dma_start3A_370] : memref<32x1048576xf32, #tpu.memory_space<hbm>> -> memref<1x1048576xf32, #tpu.memory_space<hbm>>
      %dma_start3A_372 = tpu.memref_squeeze %dma_start3A_371 : memref<1x1048576xf32, #tpu.memory_space<hbm>> -> memref<1048576xf32, #tpu.memory_space<hbm>>
      %dma_start3A_373 = tpu.memref_slice %dma_start3A_372[%mul3A_369] : memref<1048576xf32, #tpu.memory_space<hbm>> -> memref<4096xf32, #tpu.memory_space<hbm>>
      %dma_start3A_374 = arith.constant 0 : i32
      %dma_start3A_375 = tpu.memref_slice %arg3[%add3A, %dma_start3A_374] : memref<32x1048576xf32, #tpu.memory_space<hbm>> -> memref<1x1048576xf32, #tpu.memory_space<hbm>>
      %dma_start3A_376 = tpu.memref_squeeze %dma_start3A_375 : memref<1x1048576xf32, #tpu.memory_space<hbm>> -> memref<1048576xf32, #tpu.memory_space<hbm>>
      %dma_start3A_377 = tpu.memref_slice %dma_start3A_376[%mul3A_369] : memref<1048576xf32, #tpu.memory_space<hbm>> -> memref<4096xf32, #tpu.memory_space<hbm>>
      tpu.enqueue_dma source(%arg17 : memref<4096xf32, #tpu.memory_space<vmem>>) target(%dma_start3A_377 : memref<4096xf32, #tpu.memory_space<hbm>>) target_semaphore(%arg33 : memref<!tpu.dma_semaphore, #tpu.memory_space<semaphore_mem>>)
      %lt3A_378 = arith.constant 31 : i32
      %lt3A_379 = arith.cmpi slt, %scan3A_165, %lt3A_378 : i32
      %convert_element_type3A_380 = arith.extui %lt3A_379 : i1 to i32
      %cond3A_381 = arith.constant 0 : i32
      %cond3A_382 = arith.cmpi ne, %convert_element_type3A_380, %cond3A_381 : i32
      scf.if %cond3A_382 {
        %add3A_457 = arith.constant 8 : i32
        %add3A_458 = arith.addi %add3A_349, %add3A_457 : i32
        %shift_right_arithmetic3A_459 = arith.constant 1 : i32
        %shift_right_arithmetic3A_460 = arith.shrsi %add3A_458, %shift_right_arithmetic3A_459 : i32
        %xor3A_461 = arith.xori %add3A_458, %shift_right_arithmetic3A_460 : i32
        %mul3A_462 = arith.constant 4096 : i32
        %mul3A_463 = arith.muli %xor3A_461, %mul3A_462 : i32
        %dma_start3A_464 = arith.constant 0 : i32
        %dma_start3A_465 = tpu.memref_slice %arg2[%add3A, %dma_start3A_464] : memref<32x1048576xf32, #tpu.memory_space<hbm>> -> memref<1x1048576xf32, #tpu.memory_space<hbm>>
        %dma_start3A_466 = tpu.memref_squeeze %dma_start3A_465 : memref<1x1048576xf32, #tpu.memory_space<hbm>> -> memref<1048576xf32, #tpu.memory_space<hbm>>
        %dma_start3A_467 = tpu.memref_slice %dma_start3A_466[%mul3A_463] : memref<1048576xf32, #tpu.memory_space<hbm>> -> memref<4096xf32, #tpu.memory_space<hbm>>
        %dma_start3A_468 = arith.constant 0 : i32
        %dma_start3A_469 = tpu.memref_slice %arg2[%add3A, %dma_start3A_468] : memref<32x1048576xf32, #tpu.memory_space<hbm>> -> memref<1x1048576xf32, #tpu.memory_space<hbm>>
        %dma_start3A_470 = tpu.memref_squeeze %dma_start3A_469 : memref<1x1048576xf32, #tpu.memory_space<hbm>> -> memref<1048576xf32, #tpu.memory_space<hbm>>
        %dma_start3A_471 = tpu.memref_slice %dma_start3A_470[%mul3A_463] : memref<1048576xf32, #tpu.memory_space<hbm>> -> memref<4096xf32, #tpu.memory_space<hbm>>
        tpu.enqueue_dma source(%dma_start3A_471 : memref<4096xf32, #tpu.memory_space<hbm>>) target(%arg9 : memref<4096xf32, #tpu.memory_space<vmem>>) target_semaphore(%arg25 : memref<!tpu.dma_semaphore, #tpu.memory_space<semaphore_mem>>)
      } else {
      }
      %mul3A_383 = arith.constant 8 : i32
      %mul3A_384 = arith.muli %scan3A_165, %mul3A_383 : i32
      %add3A_385 = arith.constant 6 : i32
      %add3A_386 = arith.addi %mul3A_384, %add3A_385 : i32
      %dma_wait3A_387 = arith.constant 0 : i32
      %dma_wait3A_388 = tpu.memref_slice %arg2[%add3A, %dma_wait3A_387] : memref<32x1048576xf32, #tpu.memory_space<hbm>> -> memref<1x1048576xf32, #tpu.memory_space<hbm>>
      %dma_wait3A_389 = tpu.memref_squeeze %dma_wait3A_388 : memref<1x1048576xf32, #tpu.memory_space<hbm>> -> memref<1048576xf32, #tpu.memory_space<hbm>>
      %dma_wait3A_390 = arith.constant 0 : i32
      %dma_wait3A_391 = tpu.memref_slice %dma_wait3A_389[%dma_wait3A_390] : memref<1048576xf32, #tpu.memory_space<hbm>> -> memref<4096xf32, #tpu.memory_space<hbm>>
      %dma_wait3A_392 = arith.constant 0 : i32
      %dma_wait3A_393 = tpu.memref_slice %arg2[%add3A, %dma_wait3A_392] : memref<32x1048576xf32, #tpu.memory_space<hbm>> -> memref<1x1048576xf32, #tpu.memory_space<hbm>>
      %dma_wait3A_394 = tpu.memref_squeeze %dma_wait3A_393 : memref<1x1048576xf32, #tpu.memory_space<hbm>> -> memref<1048576xf32, #tpu.memory_space<hbm>>
      %dma_wait3A_395 = arith.constant 0 : i32
      %dma_wait3A_396 = tpu.memref_slice %dma_wait3A_394[%dma_wait3A_395] : memref<1048576xf32, #tpu.memory_space<hbm>> -> memref<4096xf32, #tpu.memory_space<hbm>>
      tpu.wait_dma2 semaphore(%arg26 : memref<!tpu.dma_semaphore, #tpu.memory_space<semaphore_mem>>) src(%dma_wait3A_396 : memref<4096xf32, #tpu.memory_space<hbm>>) dst(%arg10 : memref<4096xf32, #tpu.memory_space<vmem>>)
      %gt3A_397 = arith.constant 0 : i32
      %gt3A_398 = arith.cmpi sgt, %scan3A_165, %gt3A_397 : i32
      %convert_element_type3A_399 = arith.extui %gt3A_398 : i1 to i32
      %cond3A_400 = arith.constant 0 : i32
      %cond3A_401 = arith.cmpi ne, %convert_element_type3A_399, %cond3A_400 : i32
      scf.if %cond3A_401 {
        %sub3A = arith.constant 8 : i32
        %sub3A_457 = arith.subi %add3A_386, %sub3A : i32
        %mul3A_458 = arith.constant 4096 : i32
        %mul3A_459 = arith.muli %sub3A_457, %mul3A_458 : i32
        %dma_wait3A_460 = arith.constant 0 : i32
        %dma_wait3A_461 = tpu.memref_slice %arg3[%add3A, %dma_wait3A_460] : memref<32x1048576xf32, #tpu.memory_space<hbm>> -> memref<1x1048576xf32, #tpu.memory_space<hbm>>
        %dma_wait3A_462 = tpu.memref_squeeze %dma_wait3A_461 : memref<1x1048576xf32, #tpu.memory_space<hbm>> -> memref<1048576xf32, #tpu.memory_space<hbm>>
        %dma_wait3A_463 = tpu.memref_slice %dma_wait3A_462[%mul3A_459] : memref<1048576xf32, #tpu.memory_space<hbm>> -> memref<4096xf32, #tpu.memory_space<hbm>>
        %dma_wait3A_464 = arith.constant 0 : i32
        %dma_wait3A_465 = tpu.memref_slice %arg3[%add3A, %dma_wait3A_464] : memref<32x1048576xf32, #tpu.memory_space<hbm>> -> memref<1x1048576xf32, #tpu.memory_space<hbm>>
        %dma_wait3A_466 = tpu.memref_squeeze %dma_wait3A_465 : memref<1x1048576xf32, #tpu.memory_space<hbm>> -> memref<1048576xf32, #tpu.memory_space<hbm>>
        %dma_wait3A_467 = tpu.memref_slice %dma_wait3A_466[%mul3A_459] : memref<1048576xf32, #tpu.memory_space<hbm>> -> memref<4096xf32, #tpu.memory_space<hbm>>
        tpu.wait_dma2 semaphore(%arg34 : memref<!tpu.dma_semaphore, #tpu.memory_space<semaphore_mem>>) src(%arg18 : memref<4096xf32, #tpu.memory_space<vmem>>) dst(%dma_wait3A_467 : memref<4096xf32, #tpu.memory_space<hbm>>)
      } else {
      }
      %parallel_loop3A_402 = arith.constant 0 : i32
      %parallel_loop3A_403 = arith.constant 256 : i32
      %parallel_loop3A_404 = arith.constant 1 : i32
      scf.for %parallel_loop3A_457 = %parallel_loop3A_402 to %parallel_loop3A_403 step %parallel_loop3A_404  : i32 {
        %parallel_loop3A_458 = arith.constant 0 : i32
        %parallel_loop3A_459 = vector.broadcast %parallel_loop3A_458 : i32 to vector<16xi32>
        %parallel_loop3A_460 = arith.xori %xor3A, %parallel_loop3A_459 : vector<16xi32>
        %parallel_loop3A_461 = arith.constant 2 : i32
        %parallel_loop3A_462 = arith.muli %parallel_loop3A_457, %parallel_loop3A_461 : i32
        %parallel_loop3A_463 = arith.xori %parallel_loop3A_462, %parallel_loop3A_457 : i32
        %parallel_loop3A_464 = arith.constant 8 : i32
        %parallel_loop3A_465 = arith.muli %parallel_loop3A_463, %parallel_loop3A_464 : i32
        %parallel_loop3A_466 = vector.broadcast %parallel_loop3A_465 : i32 to vector<16xi32>
        %parallel_loop3A_467 = arith.xori %parallel_loop3A_460, %parallel_loop3A_466 : vector<16xi32>
        %parallel_loop3A_468 = tpu.vector_load_idx %arg10[%parallel_loop3A_467] : memref<4096xf32, #tpu.memory_space<vmem>>[vector<16xi32>], vector<16xf32>,
        %parallel_loop3A_469 = arith.constant 16 : i32
        %parallel_loop3A_470 = arith.muli %parallel_loop3A_457, %parallel_loop3A_469 : i32
        %parallel_loop3A_471 = arith.index_cast %parallel_loop3A_470 : i32 to index
        %parallel_loop3A_472 = tpu.vector_load %arg18[%parallel_loop3A_471] {strides = array<i32>} : memref<4096xf32, #tpu.memory_space<vmem>>, vector<16xf32>,
        tpu.vector_store %arg18[%parallel_loop3A_471], %parallel_loop3A_468 {strides = array<i32>} : memref<4096xf32, #tpu.memory_space<vmem>>, vector<16xf32>,
      } {sc.loop_unroll_factor = 8 : i64, sc.parallel_access}
      %mul3A_405 = arith.constant 4096 : i32
      %mul3A_406 = arith.muli %add3A_386, %mul3A_405 : i32
      %dma_start3A_407 = arith.constant 0 : i32
      %dma_start3A_408 = tpu.memref_slice %arg3[%add3A, %dma_start3A_407] : memref<32x1048576xf32, #tpu.memory_space<hbm>> -> memref<1x1048576xf32, #tpu.memory_space<hbm>>
      %dma_start3A_409 = tpu.memref_squeeze %dma_start3A_408 : memref<1x1048576xf32, #tpu.memory_space<hbm>> -> memref<1048576xf32, #tpu.memory_space<hbm>>
      %dma_start3A_410 = tpu.memref_slice %dma_start3A_409[%mul3A_406] : memref<1048576xf32, #tpu.memory_space<hbm>> -> memref<4096xf32, #tpu.memory_space<hbm>>
      %dma_start3A_411 = arith.constant 0 : i32
      %dma_start3A_412 = tpu.memref_slice %arg3[%add3A, %dma_start3A_411] : memref<32x1048576xf32, #tpu.memory_space<hbm>> -> memref<1x1048576xf32, #tpu.memory_space<hbm>>
      %dma_start3A_413 = tpu.memref_squeeze %dma_start3A_412 : memref<1x1048576xf32, #tpu.memory_space<hbm>> -> memref<1048576xf32, #tpu.memory_space<hbm>>
      %dma_start3A_414 = tpu.memref_slice %dma_start3A_413[%mul3A_406] : memref<1048576xf32, #tpu.memory_space<hbm>> -> memref<4096xf32, #tpu.memory_space<hbm>>
      tpu.enqueue_dma source(%arg18 : memref<4096xf32, #tpu.memory_space<vmem>>) target(%dma_start3A_414 : memref<4096xf32, #tpu.memory_space<hbm>>) target_semaphore(%arg34 : memref<!tpu.dma_semaphore, #tpu.memory_space<semaphore_mem>>)
      %lt3A_415 = arith.constant 31 : i32
      %lt3A_416 = arith.cmpi slt, %scan3A_165, %lt3A_415 : i32
      %convert_element_type3A_417 = arith.extui %lt3A_416 : i1 to i32
      %cond3A_418 = arith.constant 0 : i32
      %cond3A_419 = arith.cmpi ne, %convert_element_type3A_417, %cond3A_418 : i32
      scf.if %cond3A_419 {
        %add3A_457 = arith.constant 8 : i32
        %add3A_458 = arith.addi %add3A_386, %add3A_457 : i32
        %shift_right_arithmetic3A_459 = arith.constant 1 : i32
        %shift_right_arithmetic3A_460 = arith.shrsi %add3A_458, %shift_right_arithmetic3A_459 : i32
        %xor3A_461 = arith.xori %add3A_458, %shift_right_arithmetic3A_460 : i32
        %mul3A_462 = arith.constant 4096 : i32
        %mul3A_463 = arith.muli %xor3A_461, %mul3A_462 : i32
        %dma_start3A_464 = arith.constant 0 : i32
        %dma_start3A_465 = tpu.memref_slice %arg2[%add3A, %dma_start3A_464] : memref<32x1048576xf32, #tpu.memory_space<hbm>> -> memref<1x1048576xf32, #tpu.memory_space<hbm>>
        %dma_start3A_466 = tpu.memref_squeeze %dma_start3A_465 : memref<1x1048576xf32, #tpu.memory_space<hbm>> -> memref<1048576xf32, #tpu.memory_space<hbm>>
        %dma_start3A_467 = tpu.memref_slice %dma_start3A_466[%mul3A_463] : memref<1048576xf32, #tpu.memory_space<hbm>> -> memref<4096xf32, #tpu.memory_space<hbm>>
        %dma_start3A_468 = arith.constant 0 : i32
        %dma_start3A_469 = tpu.memref_slice %arg2[%add3A, %dma_start3A_468] : memref<32x1048576xf32, #tpu.memory_space<hbm>> -> memref<1x1048576xf32, #tpu.memory_space<hbm>>
        %dma_start3A_470 = tpu.memref_squeeze %dma_start3A_469 : memref<1x1048576xf32, #tpu.memory_space<hbm>> -> memref<1048576xf32, #tpu.memory_space<hbm>>
        %dma_start3A_471 = tpu.memref_slice %dma_start3A_470[%mul3A_463] : memref<1048576xf32, #tpu.memory_space<hbm>> -> memref<4096xf32, #tpu.memory_space<hbm>>
        tpu.enqueue_dma source(%dma_start3A_471 : memref<4096xf32, #tpu.memory_space<hbm>>) target(%arg10 : memref<4096xf32, #tpu.memory_space<vmem>>) target_semaphore(%arg26 : memref<!tpu.dma_semaphore, #tpu.memory_space<semaphore_mem>>)
      } else {
      }
      %mul3A_420 = arith.constant 8 : i32
      %mul3A_421 = arith.muli %scan3A_165, %mul3A_420 : i32
      %add3A_422 = arith.constant 7 : i32
      %add3A_423 = arith.addi %mul3A_421, %add3A_422 : i32
      %dma_wait3A_424 = arith.constant 0 : i32
      %dma_wait3A_425 = tpu.memref_slice %arg2[%add3A, %dma_wait3A_424] : memref<32x1048576xf32, #tpu.memory_space<hbm>> -> memref<1x1048576xf32, #tpu.memory_space<hbm>>
      %dma_wait3A_426 = tpu.memref_squeeze %dma_wait3A_425 : memref<1x1048576xf32, #tpu.memory_space<hbm>> -> memref<1048576xf32, #tpu.memory_space<hbm>>
      %dma_wait3A_427 = arith.constant 0 : i32
      %dma_wait3A_428 = tpu.memref_slice %dma_wait3A_426[%dma_wait3A_427] : memref<1048576xf32, #tpu.memory_space<hbm>> -> memref<4096xf32, #tpu.memory_space<hbm>>
      %dma_wait3A_429 = arith.constant 0 : i32
      %dma_wait3A_430 = tpu.memref_slice %arg2[%add3A, %dma_wait3A_429] : memref<32x1048576xf32, #tpu.memory_space<hbm>> -> memref<1x1048576xf32, #tpu.memory_space<hbm>>
      %dma_wait3A_431 = tpu.memref_squeeze %dma_wait3A_430 : memref<1x1048576xf32, #tpu.memory_space<hbm>> -> memref<1048576xf32, #tpu.memory_space<hbm>>
      %dma_wait3A_432 = arith.constant 0 : i32
      %dma_wait3A_433 = tpu.memref_slice %dma_wait3A_431[%dma_wait3A_432] : memref<1048576xf32, #tpu.memory_space<hbm>> -> memref<4096xf32, #tpu.memory_space<hbm>>
      tpu.wait_dma2 semaphore(%arg27 : memref<!tpu.dma_semaphore, #tpu.memory_space<semaphore_mem>>) src(%dma_wait3A_433 : memref<4096xf32, #tpu.memory_space<hbm>>) dst(%arg11 : memref<4096xf32, #tpu.memory_space<vmem>>)
      %gt3A_434 = arith.constant 0 : i32
      %gt3A_435 = arith.cmpi sgt, %scan3A_165, %gt3A_434 : i32
      %convert_element_type3A_436 = arith.extui %gt3A_435 : i1 to i32
      %cond3A_437 = arith.constant 0 : i32
      %cond3A_438 = arith.cmpi ne, %convert_element_type3A_436, %cond3A_437 : i32
      scf.if %cond3A_438 {
        %sub3A = arith.constant 8 : i32
        %sub3A_457 = arith.subi %add3A_423, %sub3A : i32
        %mul3A_458 = arith.constant 4096 : i32
        %mul3A_459 = arith.muli %sub3A_457, %mul3A_458 : i32
        %dma_wait3A_460 = arith.constant 0 : i32
        %dma_wait3A_461 = tpu.memref_slice %arg3[%add3A, %dma_wait3A_460] : memref<32x1048576xf32, #tpu.memory_space<hbm>> -> memref<1x1048576xf32, #tpu.memory_space<hbm>>
        %dma_wait3A_462 = tpu.memref_squeeze %dma_wait3A_461 : memref<1x1048576xf32, #tpu.memory_space<hbm>> -> memref<1048576xf32, #tpu.memory_space<hbm>>
        %dma_wait3A_463 = tpu.memref_slice %dma_wait3A_462[%mul3A_459] : memref<1048576xf32, #tpu.memory_space<hbm>> -> memref<4096xf32, #tpu.memory_space<hbm>>
        %dma_wait3A_464 = arith.constant 0 : i32
        %dma_wait3A_465 = tpu.memref_slice %arg3[%add3A, %dma_wait3A_464] : memref<32x1048576xf32, #tpu.memory_space<hbm>> -> memref<1x1048576xf32, #tpu.memory_space<hbm>>
        %dma_wait3A_466 = tpu.memref_squeeze %dma_wait3A_465 : memref<1x1048576xf32, #tpu.memory_space<hbm>> -> memref<1048576xf32, #tpu.memory_space<hbm>>
        %dma_wait3A_467 = tpu.memref_slice %dma_wait3A_466[%mul3A_459] : memref<1048576xf32, #tpu.memory_space<hbm>> -> memref<4096xf32, #tpu.memory_space<hbm>>
        tpu.wait_dma2 semaphore(%arg35 : memref<!tpu.dma_semaphore, #tpu.memory_space<semaphore_mem>>) src(%arg19 : memref<4096xf32, #tpu.memory_space<vmem>>) dst(%dma_wait3A_467 : memref<4096xf32, #tpu.memory_space<hbm>>)
      } else {
      }
      %parallel_loop3A_439 = arith.constant 0 : i32
      %parallel_loop3A_440 = arith.constant 256 : i32
      %parallel_loop3A_441 = arith.constant 1 : i32
      scf.for %parallel_loop3A_457 = %parallel_loop3A_439 to %parallel_loop3A_440 step %parallel_loop3A_441  : i32 {
        %parallel_loop3A_458 = arith.constant 2048 : i32
        %parallel_loop3A_459 = vector.broadcast %parallel_loop3A_458 : i32 to vector<16xi32>
        %parallel_loop3A_460 = arith.xori %xor3A, %parallel_loop3A_459 : vector<16xi32>
        %parallel_loop3A_461 = arith.constant 2 : i32
        %parallel_loop3A_462 = arith.muli %parallel_loop3A_457, %parallel_loop3A_461 : i32
        %parallel_loop3A_463 = arith.xori %parallel_loop3A_462, %parallel_loop3A_457 : i32
        %parallel_loop3A_464 = arith.constant 8 : i32
        %parallel_loop3A_465 = arith.muli %parallel_loop3A_463, %parallel_loop3A_464 : i32
        %parallel_loop3A_466 = vector.broadcast %parallel_loop3A_465 : i32 to vector<16xi32>
        %parallel_loop3A_467 = arith.xori %parallel_loop3A_460, %parallel_loop3A_466 : vector<16xi32>
        %parallel_loop3A_468 = tpu.vector_load_idx %arg11[%parallel_loop3A_467] : memref<4096xf32, #tpu.memory_space<vmem>>[vector<16xi32>], vector<16xf32>,
        %parallel_loop3A_469 = arith.constant 16 : i32
        %parallel_loop3A_470 = arith.muli %parallel_loop3A_457, %parallel_loop3A_469 : i32
        %parallel_loop3A_471 = arith.index_cast %parallel_loop3A_470 : i32 to index
        %parallel_loop3A_472 = tpu.vector_load %arg19[%parallel_loop3A_471] {strides = array<i32>} : memref<4096xf32, #tpu.memory_space<vmem>>, vector<16xf32>,
        tpu.vector_store %arg19[%parallel_loop3A_471], %parallel_loop3A_468 {strides = array<i32>} : memref<4096xf32, #tpu.memory_space<vmem>>, vector<16xf32>,
      } {sc.loop_unroll_factor = 8 : i64, sc.parallel_access}
      %mul3A_442 = arith.constant 4096 : i32
      %mul3A_443 = arith.muli %add3A_423, %mul3A_442 : i32
      %dma_start3A_444 = arith.constant 0 : i32
      %dma_start3A_445 = tpu.memref_slice %arg3[%add3A, %dma_start3A_444] : memref<32x1048576xf32, #tpu.memory_space<hbm>> -> memref<1x1048576xf32, #tpu.memory_space<hbm>>
      %dma_start3A_446 = tpu.memref_squeeze %dma_start3A_445 : memref<1x1048576xf32, #tpu.memory_space<hbm>> -> memref<1048576xf32, #tpu.memory_space<hbm>>
      %dma_start3A_447 = tpu.memref_slice %dma_start3A_446[%mul3A_443] : memref<1048576xf32, #tpu.memory_space<hbm>> -> memref<4096xf32, #tpu.memory_space<hbm>>
      %dma_start3A_448 = arith.constant 0 : i32
      %dma_start3A_449 = tpu.memref_slice %arg3[%add3A, %dma_start3A_448] : memref<32x1048576xf32, #tpu.memory_space<hbm>> -> memref<1x1048576xf32, #tpu.memory_space<hbm>>
      %dma_start3A_450 = tpu.memref_squeeze %dma_start3A_449 : memref<1x1048576xf32, #tpu.memory_space<hbm>> -> memref<1048576xf32, #tpu.memory_space<hbm>>
      %dma_start3A_451 = tpu.memref_slice %dma_start3A_450[%mul3A_443] : memref<1048576xf32, #tpu.memory_space<hbm>> -> memref<4096xf32, #tpu.memory_space<hbm>>
      tpu.enqueue_dma source(%arg19 : memref<4096xf32, #tpu.memory_space<vmem>>) target(%dma_start3A_451 : memref<4096xf32, #tpu.memory_space<hbm>>) target_semaphore(%arg35 : memref<!tpu.dma_semaphore, #tpu.memory_space<semaphore_mem>>)
      %lt3A_452 = arith.constant 31 : i32
      %lt3A_453 = arith.cmpi slt, %scan3A_165, %lt3A_452 : i32
      %convert_element_type3A_454 = arith.extui %lt3A_453 : i1 to i32
      %cond3A_455 = arith.constant 0 : i32
      %cond3A_456 = arith.cmpi ne, %convert_element_type3A_454, %cond3A_455 : i32
      scf.if %cond3A_456 {
        %add3A_457 = arith.constant 8 : i32
        %add3A_458 = arith.addi %add3A_423, %add3A_457 : i32
        %shift_right_arithmetic3A_459 = arith.constant 1 : i32
        %shift_right_arithmetic3A_460 = arith.shrsi %add3A_458, %shift_right_arithmetic3A_459 : i32
        %xor3A_461 = arith.xori %add3A_458, %shift_right_arithmetic3A_460 : i32
        %mul3A_462 = arith.constant 4096 : i32
        %mul3A_463 = arith.muli %xor3A_461, %mul3A_462 : i32
        %dma_start3A_464 = arith.constant 0 : i32
        %dma_start3A_465 = tpu.memref_slice %arg2[%add3A, %dma_start3A_464] : memref<32x1048576xf32, #tpu.memory_space<hbm>> -> memref<1x1048576xf32, #tpu.memory_space<hbm>>
        %dma_start3A_466 = tpu.memref_squeeze %dma_start3A_465 : memref<1x1048576xf32, #tpu.memory_space<hbm>> -> memref<1048576xf32, #tpu.memory_space<hbm>>
        %dma_start3A_467 = tpu.memref_slice %dma_start3A_466[%mul3A_463] : memref<1048576xf32, #tpu.memory_space<hbm>> -> memref<4096xf32, #tpu.memory_space<hbm>>
        %dma_start3A_468 = arith.constant 0 : i32
        %dma_start3A_469 = tpu.memref_slice %arg2[%add3A, %dma_start3A_468] : memref<32x1048576xf32, #tpu.memory_space<hbm>> -> memref<1x1048576xf32, #tpu.memory_space<hbm>>
        %dma_start3A_470 = tpu.memref_squeeze %dma_start3A_469 : memref<1x1048576xf32, #tpu.memory_space<hbm>> -> memref<1048576xf32, #tpu.memory_space<hbm>>
        %dma_start3A_471 = tpu.memref_slice %dma_start3A_470[%mul3A_463] : memref<1048576xf32, #tpu.memory_space<hbm>> -> memref<4096xf32, #tpu.memory_space<hbm>>
        tpu.enqueue_dma source(%dma_start3A_471 : memref<4096xf32, #tpu.memory_space<hbm>>) target(%arg11 : memref<4096xf32, #tpu.memory_space<vmem>>) target_semaphore(%arg27 : memref<!tpu.dma_semaphore, #tpu.memory_space<semaphore_mem>>)
      } else {
      }
    }
    %scan3A_85 = arith.constant 32 : i32
    %dma_wait3A = arith.constant 0 : i32
    %dma_wait3A_86 = tpu.memref_slice %arg3[%add3A, %dma_wait3A] : memref<32x1048576xf32, #tpu.memory_space<hbm>> -> memref<1x1048576xf32, #tpu.memory_space<hbm>>
    %dma_wait3A_87 = tpu.memref_squeeze %dma_wait3A_86 : memref<1x1048576xf32, #tpu.memory_space<hbm>> -> memref<1048576xf32, #tpu.memory_space<hbm>>
    %dma_wait3A_88 = arith.constant 1015808 : i32
    %dma_wait3A_89 = tpu.memref_slice %dma_wait3A_87[%dma_wait3A_88] : memref<1048576xf32, #tpu.memory_space<hbm>> -> memref<4096xf32, #tpu.memory_space<hbm>>
    %dma_wait3A_90 = arith.constant 0 : i32
    %dma_wait3A_91 = tpu.memref_slice %arg3[%add3A, %dma_wait3A_90] : memref<32x1048576xf32, #tpu.memory_space<hbm>> -> memref<1x1048576xf32, #tpu.memory_space<hbm>>
    %dma_wait3A_92 = tpu.memref_squeeze %dma_wait3A_91 : memref<1x1048576xf32, #tpu.memory_space<hbm>> -> memref<1048576xf32, #tpu.memory_space<hbm>>
    %dma_wait3A_93 = arith.constant 1015808 : i32
    %dma_wait3A_94 = tpu.memref_slice %dma_wait3A_92[%dma_wait3A_93] : memref<1048576xf32, #tpu.memory_space<hbm>> -> memref<4096xf32, #tpu.memory_space<hbm>>
    tpu.wait_dma2 semaphore(%arg28 : memref<!tpu.dma_semaphore, #tpu.memory_space<semaphore_mem>>) src(%arg12 : memref<4096xf32, #tpu.memory_space<vmem>>) dst(%dma_wait3A_94 : memref<4096xf32, #tpu.memory_space<hbm>>)
    %dma_wait3A_95 = arith.constant 0 : i32
    %dma_wait3A_96 = tpu.memref_slice %arg3[%add3A, %dma_wait3A_95] : memref<32x1048576xf32, #tpu.memory_space<hbm>> -> memref<1x1048576xf32, #tpu.memory_space<hbm>>
    %dma_wait3A_97 = tpu.memref_squeeze %dma_wait3A_96 : memref<1x1048576xf32, #tpu.memory_space<hbm>> -> memref<1048576xf32, #tpu.memory_space<hbm>>
    %dma_wait3A_98 = arith.constant 1019904 : i32
    %dma_wait3A_99 = tpu.memref_slice %dma_wait3A_97[%dma_wait3A_98] : memref<1048576xf32, #tpu.memory_space<hbm>> -> memref<4096xf32, #tpu.memory_space<hbm>>
    %dma_wait3A_100 = arith.constant 0 : i32
    %dma_wait3A_101 = tpu.memref_slice %arg3[%add3A, %dma_wait3A_100] : memref<32x1048576xf32, #tpu.memory_space<hbm>> -> memref<1x1048576xf32, #tpu.memory_space<hbm>>
    %dma_wait3A_102 = tpu.memref_squeeze %dma_wait3A_101 : memref<1x1048576xf32, #tpu.memory_space<hbm>> -> memref<1048576xf32, #tpu.memory_space<hbm>>
    %dma_wait3A_103 = arith.constant 1019904 : i32
    %dma_wait3A_104 = tpu.memref_slice %dma_wait3A_102[%dma_wait3A_103] : memref<1048576xf32, #tpu.memory_space<hbm>> -> memref<4096xf32, #tpu.memory_space<hbm>>
    tpu.wait_dma2 semaphore(%arg29 : memref<!tpu.dma_semaphore, #tpu.memory_space<semaphore_mem>>) src(%arg13 : memref<4096xf32, #tpu.memory_space<vmem>>) dst(%dma_wait3A_104 : memref<4096xf32, #tpu.memory_space<hbm>>)
    %dma_wait3A_105 = arith.constant 0 : i32
    %dma_wait3A_106 = tpu.memref_slice %arg3[%add3A, %dma_wait3A_105] : memref<32x1048576xf32, #tpu.memory_space<hbm>> -> memref<1x1048576xf32, #tpu.memory_space<hbm>>
    %dma_wait3A_107 = tpu.memref_squeeze %dma_wait3A_106 : memref<1x1048576xf32, #tpu.memory_space<hbm>> -> memref<1048576xf32, #tpu.memory_space<hbm>>
    %dma_wait3A_108 = arith.constant 1024000 : i32
    %dma_wait3A_109 = tpu.memref_slice %dma_wait3A_107[%dma_wait3A_108] : memref<1048576xf32, #tpu.memory_space<hbm>> -> memref<4096xf32, #tpu.memory_space<hbm>>
    %dma_wait3A_110 = arith.constant 0 : i32
    %dma_wait3A_111 = tpu.memref_slice %arg3[%add3A, %dma_wait3A_110] : memref<32x1048576xf32, #tpu.memory_space<hbm>> -> memref<1x1048576xf32, #tpu.memory_space<hbm>>
    %dma_wait3A_112 = tpu.memref_squeeze %dma_wait3A_111 : memref<1x1048576xf32, #tpu.memory_space<hbm>> -> memref<1048576xf32, #tpu.memory_space<hbm>>
    %dma_wait3A_113 = arith.constant 1024000 : i32
    %dma_wait3A_114 = tpu.memref_slice %dma_wait3A_112[%dma_wait3A_113] : memref<1048576xf32, #tpu.memory_space<hbm>> -> memref<4096xf32, #tpu.memory_space<hbm>>
    tpu.wait_dma2 semaphore(%arg30 : memref<!tpu.dma_semaphore, #tpu.memory_space<semaphore_mem>>) src(%arg14 : memref<4096xf32, #tpu.memory_space<vmem>>) dst(%dma_wait3A_114 : memref<4096xf32, #tpu.memory_space<hbm>>)
    %dma_wait3A_115 = arith.constant 0 : i32
    %dma_wait3A_116 = tpu.memref_slice %arg3[%add3A, %dma_wait3A_115] : memref<32x1048576xf32, #tpu.memory_space<hbm>> -> memref<1x1048576xf32, #tpu.memory_space<hbm>>
    %dma_wait3A_117 = tpu.memref_squeeze %dma_wait3A_116 : memref<1x1048576xf32, #tpu.memory_space<hbm>> -> memref<1048576xf32, #tpu.memory_space<hbm>>
    %dma_wait3A_118 = arith.constant 1028096 : i32
    %dma_wait3A_119 = tpu.memref_slice %dma_wait3A_117[%dma_wait3A_118] : memref<1048576xf32, #tpu.memory_space<hbm>> -> memref<4096xf32, #tpu.memory_space<hbm>>
    %dma_wait3A_120 = arith.constant 0 : i32
    %dma_wait3A_121 = tpu.memref_slice %arg3[%add3A, %dma_wait3A_120] : memref<32x1048576xf32, #tpu.memory_space<hbm>> -> memref<1x1048576xf32, #tpu.memory_space<hbm>>
    %dma_wait3A_122 = tpu.memref_squeeze %dma_wait3A_121 : memref<1x1048576xf32, #tpu.memory_space<hbm>> -> memref<1048576xf32, #tpu.memory_space<hbm>>
    %dma_wait3A_123 = arith.constant 1028096 : i32
    %dma_wait3A_124 = tpu.memref_slice %dma_wait3A_122[%dma_wait3A_123] : memref<1048576xf32, #tpu.memory_space<hbm>> -> memref<4096xf32, #tpu.memory_space<hbm>>
    tpu.wait_dma2 semaphore(%arg31 : memref<!tpu.dma_semaphore, #tpu.memory_space<semaphore_mem>>) src(%arg15 : memref<4096xf32, #tpu.memory_space<vmem>>) dst(%dma_wait3A_124 : memref<4096xf32, #tpu.memory_space<hbm>>)
    %dma_wait3A_125 = arith.constant 0 : i32
    %dma_wait3A_126 = tpu.memref_slice %arg3[%add3A, %dma_wait3A_125] : memref<32x1048576xf32, #tpu.memory_space<hbm>> -> memref<1x1048576xf32, #tpu.memory_space<hbm>>
    %dma_wait3A_127 = tpu.memref_squeeze %dma_wait3A_126 : memref<1x1048576xf32, #tpu.memory_space<hbm>> -> memref<1048576xf32, #tpu.memory_space<hbm>>
    %dma_wait3A_128 = arith.constant 1032192 : i32
    %dma_wait3A_129 = tpu.memref_slice %dma_wait3A_127[%dma_wait3A_128] : memref<1048576xf32, #tpu.memory_space<hbm>> -> memref<4096xf32, #tpu.memory_space<hbm>>
    %dma_wait3A_130 = arith.constant 0 : i32
    %dma_wait3A_131 = tpu.memref_slice %arg3[%add3A, %dma_wait3A_130] : memref<32x1048576xf32, #tpu.memory_space<hbm>> -> memref<1x1048576xf32, #tpu.memory_space<hbm>>
    %dma_wait3A_132 = tpu.memref_squeeze %dma_wait3A_131 : memref<1x1048576xf32, #tpu.memory_space<hbm>> -> memref<1048576xf32, #tpu.memory_space<hbm>>
    %dma_wait3A_133 = arith.constant 1032192 : i32
    %dma_wait3A_134 = tpu.memref_slice %dma_wait3A_132[%dma_wait3A_133] : memref<1048576xf32, #tpu.memory_space<hbm>> -> memref<4096xf32, #tpu.memory_space<hbm>>
    tpu.wait_dma2 semaphore(%arg32 : memref<!tpu.dma_semaphore, #tpu.memory_space<semaphore_mem>>) src(%arg16 : memref<4096xf32, #tpu.memory_space<vmem>>) dst(%dma_wait3A_134 : memref<4096xf32, #tpu.memory_space<hbm>>)
    %dma_wait3A_135 = arith.constant 0 : i32
    %dma_wait3A_136 = tpu.memref_slice %arg3[%add3A, %dma_wait3A_135] : memref<32x1048576xf32, #tpu.memory_space<hbm>> -> memref<1x1048576xf32, #tpu.memory_space<hbm>>
    %dma_wait3A_137 = tpu.memref_squeeze %dma_wait3A_136 : memref<1x1048576xf32, #tpu.memory_space<hbm>> -> memref<1048576xf32, #tpu.memory_space<hbm>>
    %dma_wait3A_138 = arith.constant 1036288 : i32
    %dma_wait3A_139 = tpu.memref_slice %dma_wait3A_137[%dma_wait3A_138] : memref<1048576xf32, #tpu.memory_space<hbm>> -> memref<4096xf32, #tpu.memory_space<hbm>>
    %dma_wait3A_140 = arith.constant 0 : i32
    %dma_wait3A_141 = tpu.memref_slice %arg3[%add3A, %dma_wait3A_140] : memref<32x1048576xf32, #tpu.memory_space<hbm>> -> memref<1x1048576xf32, #tpu.memory_space<hbm>>
    %dma_wait3A_142 = tpu.memref_squeeze %dma_wait3A_141 : memref<1x1048576xf32, #tpu.memory_space<hbm>> -> memref<1048576xf32, #tpu.memory_space<hbm>>
    %dma_wait3A_143 = arith.constant 1036288 : i32
    %dma_wait3A_144 = tpu.memref_slice %dma_wait3A_142[%dma_wait3A_143] : memref<1048576xf32, #tpu.memory_space<hbm>> -> memref<4096xf32, #tpu.memory_space<hbm>>
    tpu.wait_dma2 semaphore(%arg33 : memref<!tpu.dma_semaphore, #tpu.memory_space<semaphore_mem>>) src(%arg17 : memref<4096xf32, #tpu.memory_space<vmem>>) dst(%dma_wait3A_144 : memref<4096xf32, #tpu.memory_space<hbm>>)
    %dma_wait3A_145 = arith.constant 0 : i32
    %dma_wait3A_146 = tpu.memref_slice %arg3[%add3A, %dma_wait3A_145] : memref<32x1048576xf32, #tpu.memory_space<hbm>> -> memref<1x1048576xf32, #tpu.memory_space<hbm>>
    %dma_wait3A_147 = tpu.memref_squeeze %dma_wait3A_146 : memref<1x1048576xf32, #tpu.memory_space<hbm>> -> memref<1048576xf32, #tpu.memory_space<hbm>>
    %dma_wait3A_148 = arith.constant 1040384 : i32
    %dma_wait3A_149 = tpu.memref_slice %dma_wait3A_147[%dma_wait3A_148] : memref<1048576xf32, #tpu.memory_space<hbm>> -> memref<4096xf32, #tpu.memory_space<hbm>>
    %dma_wait3A_150 = arith.constant 0 : i32
    %dma_wait3A_151 = tpu.memref_slice %arg3[%add3A, %dma_wait3A_150] : memref<32x1048576xf32, #tpu.memory_space<hbm>> -> memref<1x1048576xf32, #tpu.memory_space<hbm>>
    %dma_wait3A_152 = tpu.memref_squeeze %dma_wait3A_151 : memref<1x1048576xf32, #tpu.memory_space<hbm>> -> memref<1048576xf32, #tpu.memory_space<hbm>>
    %dma_wait3A_153 = arith.constant 1040384 : i32
    %dma_wait3A_154 = tpu.memref_slice %dma_wait3A_152[%dma_wait3A_153] : memref<1048576xf32, #tpu.memory_space<hbm>> -> memref<4096xf32, #tpu.memory_space<hbm>>
    tpu.wait_dma2 semaphore(%arg34 : memref<!tpu.dma_semaphore, #tpu.memory_space<semaphore_mem>>) src(%arg18 : memref<4096xf32, #tpu.memory_space<vmem>>) dst(%dma_wait3A_154 : memref<4096xf32, #tpu.memory_space<hbm>>)
    %dma_wait3A_155 = arith.constant 0 : i32
    %dma_wait3A_156 = tpu.memref_slice %arg3[%add3A, %dma_wait3A_155] : memref<32x1048576xf32, #tpu.memory_space<hbm>> -> memref<1x1048576xf32, #tpu.memory_space<hbm>>
    %dma_wait3A_157 = tpu.memref_squeeze %dma_wait3A_156 : memref<1x1048576xf32, #tpu.memory_space<hbm>> -> memref<1048576xf32, #tpu.memory_space<hbm>>
    %dma_wait3A_158 = arith.constant 1044480 : i32
    %dma_wait3A_159 = tpu.memref_slice %dma_wait3A_157[%dma_wait3A_158] : memref<1048576xf32, #tpu.memory_space<hbm>> -> memref<4096xf32, #tpu.memory_space<hbm>>
    %dma_wait3A_160 = arith.constant 0 : i32
    %dma_wait3A_161 = tpu.memref_slice %arg3[%add3A, %dma_wait3A_160] : memref<32x1048576xf32, #tpu.memory_space<hbm>> -> memref<1x1048576xf32, #tpu.memory_space<hbm>>
    %dma_wait3A_162 = tpu.memref_squeeze %dma_wait3A_161 : memref<1x1048576xf32, #tpu.memory_space<hbm>> -> memref<1048576xf32, #tpu.memory_space<hbm>>
    %dma_wait3A_163 = arith.constant 1044480 : i32
    %dma_wait3A_164 = tpu.memref_slice %dma_wait3A_162[%dma_wait3A_163] : memref<1048576xf32, #tpu.memory_space<hbm>> -> memref<4096xf32, #tpu.memory_space<hbm>>
    tpu.wait_dma2 semaphore(%arg35 : memref<!tpu.dma_semaphore, #tpu.memory_space<semaphore_mem>>) src(%arg19 : memref<4096xf32, #tpu.memory_space<vmem>>) dst(%dma_wait3A_164 : memref<4096xf32, #tpu.memory_space<hbm>>)
    return
  }
}

</mosaic_0001>

<sc_bundles>
// kernel: kernel.3.cloned.1.call-start
scs
__scs_entry_jumppad:
0x0: {  	(pc) =	sbr.rel $0x88, $3  }
0x1: {  	(tag) =	ssettag $0x0;
	lr =	simm.s32 $0x1  }
0x2: {  	[smem:$0x3FA0] =	sst lr;
	_ =	strace $0xD0000000  }
0x3: {  	_ = 	snop  }
0x4: {  	_ = 	snop  }
0x5: {  	_ = 	snop  }
0x6: {  	_ = 	snop  }
0x7: {  	_ = 	snop  }
__scs_overlays_trampoline_lowered:
0x8: {  	[smem:$0x3FAF] =	sst s0  }
0x9: {  	[smem:$0x3FB0] =	sst s1  }
0xa: {  	[smem:$0x3FB1] =	sst s2  }
0xb: {  	[smem:$0x3FB2] =	sst s3  }
0xc: {  	[smem:$0x3FB3] =	sst s4  }
0xd: {  	[smem:$0x3FB4] =	sst s5  }
0xe: {  	[smem:$0x3FB5] =	sst s6  }
0xf: {  	[smem:$0x3FB6] =	sst s7  }
0x10: {  	[smem:$0x3FB7] =	sst s8  }
0x11: {  	[smem:$0x3FB8] =	sst s9;
	s0 =	simm.s32 @!p0 $0x0  }
0x12: {  	s1 =	sld [smem:$0x3F9E];
	s0 =	simm.s32 @p0 $0x1  }
0x13: {  	[smem:$0x3FB9] =	sst s0;
	s0 =	simm.s32 @!p1 $0x0  }
0x14: {  	s2 =	sld [smem:$0x3F9D];
	s0 =	simm.s32 @p1 $0x1  }
0x15: {  	[smem:$0x3FBA] =	sst s0;
	s0 =	simm.s32 @!p2 $0x0  }
0x16: {  	s3 =	sld [smem:$0x3FDB];
	s0 =	simm.s32 @p2 $0x1  }
0x17: {  	s4 =	simm.s32 $0x1BF5;
	[smem:$0x3FBC] =	sst s0  }
0x18: {  	s0 =	sld [smem:$0x3F9F];
	_ =	swait.ge [sflag:s4], $0x0  }
0x19: {  	s7 =	sld [smem:$0x3FA0]  }
0x1a: {  	s8 =	sadd.s32 $0xFFFFE003, lr  }
0x1b: {  	s9 =	sadd.s32 $0xFFFFFEF7, lr;
	s5 =	simm.s32 $0xFFFFFFFF;
	p2 =	slt.u32 s8, $0xFFFFF086  }
0x1c: {  	p1 =	slt.u32 s9, $0xF7A;
	s5 =	simm.s32 @!p2 $0x0  }
0x1d: {  	s5 =	simm.s32 @p1 $0x1;
	p0 =	seq.s32 s7, s2  }
0x1e: {  	s7 =	smul.u32 @!p0 $0xF7A, s2;
	p2 =	seq.s32 @!p0 s5, $0x0  }
0x1f: {  	s9 =	smul.u32 $0xF7A, s1;
	s8 =	simm.s32 @!p0 $0x1BF5;
	p2 =	por !p2, p0  }
0x20: {  	[sflag:s8] =	ssyncset.s32 @!p0 $0xFFFFF086;
	s6 =	sadd.s32 @!p0 s3, s7;
	s7 =	simm.s32 @!p0 $0x108  }
0x21: {  	s3 =	sadd.s32 s3, s9;
	s6 =	sadd.s32 @!p0 $0x88, s6;
	s7 =	simm.s32 @p2 $0x1082  }
0x22: {  	[simem:s7], [sflag:s8] =	dma.local @!p0 [hbm:s6], $0xF7A  }
0x23: {  	s9 =	sor.u32 $0xD0000000, s2;
	s6 =	simm.s32 $0x108;
	_ =	swait.ge @!p0 [sflag:s8], $0x0  }
0x24: {  	s3 =	sadd.s32 $0x88, s3;
	s6 =	simm.s32 @!p1 $0x1082;
	[sflag:s4] =	ssyncset.s32 $0xFFFFF086  }
0x25: {  	[simem:s6], [sflag:s4] =	dma.local [hbm:s3], $0xF7A  }
0x26: {  	[smem:$0x3FA0] =	sst s1;
	(tag) =	ssettag s2;
	_ =	strace s9  }
0x27: {  	s1 =	sld [smem:$0x3FB0]  }
0x28: {  	s2 =	sld [smem:$0x3FB1]  }
0x29: {  	s4 =	sld [smem:$0x3FB3]  }
0x2a: {  	p0 =	seq.s32 s5, $0x0;
	s5 =	sld [smem:$0x3FB4]  }
0x2b: {  	s6 =	sld [smem:$0x3FB5]  }
0x2c: {  	s7 =	sld [smem:$0x3FB6]  }
0x2d: {  	s3 =	simm.s32 $0x108;
	s8 =	sld [smem:$0x3FB7]  }
0x2e: {  	s3 =	simm.s32 @!p0 $0x1082;
	s9 =	sld [smem:$0x3FB8]  }
0x2f: {  	lr =	sadd.s32 s0, s3;
	s0 =	sld [smem:$0x3FAF]  }
0x30: {  	s3 =	sld [smem:$0x3FB2]  }
0x31: {  	[smem:$0x3FBB] =	sst s10  }
0x32: {  	s10 =	sld [smem:$0x3FB9];
	_ =	sdelay $0x3  }
0x33: {  	p0 =	seq.s32 s10, $0x1;
	s10 =	sld [smem:$0x3FBB];
	_ =	sdelay $0x3  }
0x34: {  	[smem:$0x3FBB] =	sst s10  }
0x35: {  	s10 =	sld [smem:$0x3FBA];
	_ =	sdelay $0x3  }
0x36: {  	p1 =	seq.s32 s10, $0x1;
	s10 =	sld [smem:$0x3FBB];
	_ =	sdelay $0x3  }
0x37: {  	[smem:$0x3FBB] =	sst s10  }
0x38: {  	s10 =	sld [smem:$0x3FBC]  }
0x39: {  	_ = 	snop;
	(pc) =	sbr.ind lr, $3  }
0x3a: {  	_ = 	snop  }
0x3b: {  	_ = 	snop  }
0x3c: {  	p2 =	seq.s32 s10, $0x1;
	s10 =	sld [smem:$0x3FBB]  }
0x3d: {  	_ =	shalt  }
0x3e: {  	_ =	shalt  }
0x3f: {  	_ =	shalt  }
0x40: {  	_ =	shalt  }
0x41: {  	_ =	shalt  }
0x42: {  	_ =	shalt  }
0x43: {  	_ =	shalt  }
0x44: {  	_ =	shalt  }
0x45: {  	_ =	shalt  }
0x46: {  	_ =	shalt  }
0x47: {  	_ =	shalt  }
0x48: {  	_ =	shalt  }
0x49: {  	_ =	shalt  }
0x4a: {  	_ =	shalt  }
0x4b: {  	_ =	shalt  }
0x4c: {  	_ =	shalt  }
0x4d: {  	_ =	shalt  }
0x4e: {  	_ =	shalt  }
0x4f: {  	_ =	shalt  }
0x50: {  	_ =	shalt  }
0x51: {  	_ =	shalt  }
0x52: {  	_ =	shalt  }
0x53: {  	_ =	shalt  }
0x54: {  	_ =	shalt  }
0x55: {  	_ =	shalt  }
0x56: {  	_ =	shalt  }
0x57: {  	_ =	shalt  }
0x58: {  	_ =	shalt  }
0x59: {  	_ =	shalt  }
0x5a: {  	_ =	shalt  }
0x5b: {  	_ =	shalt  }
0x5c: {  	_ =	shalt  }
0x5d: {  	_ =	shalt  }
0x5e: {  	_ =	shalt  }
0x5f: {  	_ =	shalt  }
0x60: {  	_ =	shalt  }
0x61: {  	_ =	shalt  }
0x62: {  	_ =	shalt  }
0x63: {  	_ =	shalt  }
0x64: {  	_ =	shalt  }
0x65: {  	_ =	shalt  }
0x66: {  	_ =	shalt  }
0x67: {  	_ =	shalt  }
0x68: {  	_ =	shalt  }
0x69: {  	_ =	shalt  }
0x6a: {  	_ =	shalt  }
0x6b: {  	_ =	shalt  }
0x6c: {  	_ =	shalt  }
0x6d: {  	_ =	shalt  }
0x6e: {  	_ =	shalt  }
0x6f: {  	_ =	shalt  }
0x70: {  	_ =	shalt  }
0x71: {  	_ =	shalt  }
0x72: {  	_ =	shalt  }
0x73: {  	_ =	shalt  }
0x74: {  	_ =	shalt  }
0x75: {  	_ =	shalt  }
0x76: {  	_ =	shalt  }
0x77: {  	_ =	shalt  }
0x78: {  	_ =	shalt  }
0x79: {  	_ =	shalt  }
0x7a: {  	_ =	shalt  }
0x7b: {  	_ =	shalt  }
0x7c: {  	_ =	shalt  }
0x7d: {  	_ =	shalt  }
0x7e: {  	_ =	shalt  }
0x7f: {  	_ =	shalt  }
0x80: {  	_ =	shalt  }
0x81: {  	_ =	shalt  }
0x82: {  	_ =	shalt  }
0x83: {  	_ =	shalt  }
0x84: {  	_ =	shalt  }
0x85: {  	_ =	shalt  }
0x86: {  	_ =	shalt  }
0x87: {  	_ =	shalt  }
.Lfunc_end0:
.L_simem_size_0:
called_computation_lowered:
.L_overlay_start_0:
0x88: {  	s2 =	sld [smem:$0x3FD9]  }
0x89: {  	s3 =	sld [smem:$0x3FFE];
	_ =	sdelay $0x1  }
0x8a: {  	s1 =	srdreg.scid  }
0x8b: {  	s0 =	sand.u32 $0x1, s1  }
0x8c: {  	s18 =	sshll.u32 s0, $0xA;
	s2 =	sadd.s32 s3, s2  }
0x8d: {  	s2 =	sadd.s32 s2, s18  }
0x8e: {  	[smem:$0x3FC7] =	sst s2  }
0x8f: {  	_ = 	snop  }
0x90: {  	s2 =	sld [smem:$0x3FC9]  }
0x91: {  	s19 =	sld [smem:$0x3FD0];
	(tm) =	ssettm $0x1  }
0x92: {  	s4 =	sld [smem:$0x3FFB];
	_ =	sdelay $0x3  }
0x93: {  	_ =	strace s4  }
0x94: {  	s4 =	sld [smem:$0x3FFC];
	_ =	sdelay $0x3  }
0x95: {  	_ =	strace s4  }
0x96: {  	s4 =	sld [smem:$0x3FFD];
	_ =	sdelay $0x3  }
0x97: {  	_ =	strace s4  }
0x98: {  	_ =	strace $0x8FFFFFFF  }
0x99: {  	s20 =	sld [smem:$0x3FDB];
	_ =	sdelay $0x1  }
0x9a: {  	s5 =	simm.s32 $_scs_section_size  }
0x9b: {  	s6 =	simm.s32 $_size__tile_overlayer_lowered;
	s7 =	simm.s32 $_tile_overlayer_lowered  }
0x9c: {  	s23 =	simm.s32 $0x1BFF;
	s22 =	sshll.u32 s7, $0x1;
	s4 =	sadd.s32 s5, s20  }
0x9d: {  	s8 =	simm.s32 $0x0;
	s21 =	sshll.u32 s6, $0x1;
	s6 =	sadd.s32 s22, s4  }
0x9e: {  	[timem:s8], [sflag:s23] =	dma.local [hbm:s6], s21  }
0x9f: {  	_ =	swait.ge [sflag:s23], s21  }
0xa0: {  	s5 =	ssub.s32 $0x0, s21;
	[sflag:s23] =	ssyncset.done $0x0  }
0xa1: {  	[sflag:s23] =	ssyncadd.s32 s5;
	_ =	sdelay $0x1  }
0xa2: {  	s24 =	simm.s32 $0x1B8B  }
0xa3: {  	_ =	swait.ge [sflag:s24], $0x1  }
0xa4: {  	[sflag:s24] =	ssyncset.done $0x0  }
0xa5: {  	s25 =	simm.s32 $0x1B8E;
	[sflag:s24] =	ssyncadd.s32 $0xFFFFFFFF  }
0xa6: {  	s26 =	simm.s32 $execute0_lowered;
	[smem:$0x3FD2] =	sst s25  }
0xa7: {  	s5 =	sshll.u32 s26, $0x1;
	_ =	strace $0x80000046;
	[dreg:$0x1] =	wrdreg $0xFFFFFFFF  }
0xa8: {  	s28 =	simm.s32 $_size_execute0_lowered;
	s4 =	sadd.s32 s4, s5;
	[dreg:$0x0] =	wrdreg $0x0  }
0xa9: {  	s5 =	sshll.u32 s28, $0x1;
	[dreg:$0x2] =	wrdreg s4  }
0xaa: {  	[dreg:$0x3] =	wrdreg s5  }
0xab: {  	[dreg:$0x4] =	wrdreg $0xC0  }
0xac: {  	_ =	task [dreg:s8], $0x5FFFF  }
0xad: {  	[dreg:$0x1] =	wrdreg $0xFFFFFFFF  }
0xae: {  	[dreg:$0x0] =	wrdreg $0x60  }
0xaf: {  	[dreg:$0x2] =	wrdreg s2  }
0xb0: {  	[dreg:$0x3] =	wrdreg s19  }
0xb1: {  	[dreg:$0x4] =	wrdreg $0x9  }
0xb2: {  	_ =	task.clear_ibuf [dreg:s8], $0x5FFFF;
	_ =	strace $0x90000046  }
0xb3: {  	s29 =	simm.s32 $0x9;
	_ =	strace $0x80000048  }
0xb4: {  	_ =	swait.ge [sflag:s29], $0x1  }
0xb5: {  	[sflag:s29] =	ssyncadd.s32 $0xFFFFFFFF  }
0xb6: {  	_ =	strace $0x90000048  }
0xb7: {  	_ =	sfence  }
0xb8: {  	s30 =	sld [smem:$0x0];
	_ =	sdelay $0x2  }
0xb9: {  	s31 =	sshll.u32 s1, $0xD;
	s1 =	sshrl.u32 s1, $0x2  }
0xba: {  	s3 =	sand.u32 $0x4000, s31;
	s1 =	sadd.s32 s1, s30  }
0xbb: {  	s0 =	sor.u32 s3, s0;
	s1 =	sshll.u32 s1, $0x11  }
0xbc: {  	s0 =	sor.u32 s1, s0  }
0xbd: {  	s0 =	sadd.s32 $0x8F2B, s0  }
0xbe: {  	[sflag:s0] =	ssyncadd.remote.s32 $0x1  }
0xbf: {  	_ =	sfence.sel $0xFFFF  }
0xc0: {  	[dreg:$0x0] =	wrdreg $0xFFFFFFFF;
	(pc) =	sbr.abs _section_cstart, $3  }
0xc1: {  	[dreg:$0x1] =	wrdreg $0xFFFFFFFF  }
0xc2: {  	_ =	task.clear_ibuf [dreg:s8], $0x2FFFF;
	_ =	strace $0x9FFFFFFF  }
0xc3: {  	(tm) =	ssettm $0x7FFFFFFF  }
tec
execute0_lowered:
.L_overlay_start_1:
0x0: {  	(tag) =	ssettag $0x1  }
0x1: {  	s0 =	rddreg [dreg:$0x0]  }
0x2: {  	s1 =	srdreg.scid;
	s3 =	stileid.u32;
	v0 =	vimm.s32 $0x808;
	vm0 =	vcmask $0x300  }
0x3: {  	s4 =	rddreg [dreg:$0x1];
	vm14 =	vcmask $0x704;
	s13 =	simm.s32 $0x400;
	s14 =	simm.s32 $0x1000;
	v0 =	vsel vm0, $0x800, v0  }
0x4: {  	vm15 =	vcmask $0xB08;
	s1 =	sand.u32 $0x1, s1;
	s2 =	sshll.u32 s3, $0x5;
	s3 =	sshll.u32 s3, $0x12;
	v0 =	vsel vm14, $0x801, v0  }
0x5: {  	vm4 =	vcmask $0xF0C;
	s5 =	sshll.u32 s1, $0x4;
	s2 =	sand.u32 $0x60, s2;
	s3 =	sand.u32 $0x300000, s3;
	v0 =	vsel vm15, $0x803, v0  }
0x6: {  	vm5 =	vcmask $0x1310;
	s1 =	ssub.s32 $0x2, s1;
	s5 =	sor.u32 s5, s2;
	s2 =	simm.s32 $0x0;
	v0 =	vsel vm4, $0x802, v0  }
0x7: {  	vm6 =	vcmask $0x1714;
	s6 =	sshrl.u32 s1, $0x1;
	s5 =	sor.u32 s3, s5;
	[smem:$0x7FF] =	sst s2;
	v0 =	vsel vm5, $0x806, v0  }
0x8: {  	v1 =	vimm.s32 $0x89BAEFDC;
	vm7 =	vcmask $0x1B18;
	s22 =	ssub.s32 s1, s6;
	s3 =	sadd.s32 s0, s5;
	s31 =	sadd.s32 s4, s5;
	v0 =	vsel vm6, $0x807, v0  }
0x9: {  	vm8 =	vcmask $0x1F1C;
	v2 =	vimm.s32 $0x45762310;
	_ =	strace $0x80000047;
	s0 =	smax.u32 s22, $0x1;
	[dreg:$0xa] =	wrdreg s31;
	v0 =	vsel vm7, $0x805, v0  }
0xa: {  	s15 =	simm.s32 $0x2000;
	vm9 =	vcmask $0x2320;
	vm10 =	vcmask $0x2724;
	s23 =	sadd.s32 $0x1000, s3;
	[dreg:$0xb] =	wrdreg s0;
	v0 =	vsel vm8, $0x804, v0  }
0xb: {  	s16 =	simm.s32 $0x3000;
	v1 =	vunpack.c.l.s4.s8 v1;
	v2 =	vunpack.c.l.s4.s8 v2;
	s24 =	sadd.s32 $0x3000, s3;
	[dreg:$0x3] =	wrdreg s23;
	v0 =	vsel vm9, $0x80C, v0  }
0xc: {  	s17 =	simm.s32 $0x80;
	vm11 =	vcmask $0x2B28;
	vm12 =	vcmask $0x2F2C;
	s25 =	sadd.s32 $0x2000, s3;
	[dreg:$0x4] =	wrdreg s24;
	v0 =	vsel vm10, $0x80D, v0  }
.Ltmp0:
0xd: {  	v1 =	vunpack.c.0.s8.s32 v1;
	v2 =	vunpack.c.0.s8.s32 v2;
	s26 =	sadd.s32 $0x6000, s3;
	[dreg:$0x5] =	wrdreg s25;
	v0 =	vsel vm11, $0x80F, v0;
	(pc) =	sbr.rel .LBB2_1-.Ltmp0, $4  }
0xe: {  	s18 =	simm.s32 $0x4000;
	vm13 =	vcmask $0x3330;
	s28 =	sadd.s32 $0x7000, s3;
	[dreg:$0x6] =	wrdreg s26;
	v0 =	vsel vm12, $0x80E, v0  }
0xf: {  	s19 =	simm.s32 $0x5000;
	vm14 =	vcmask $0x3734;
	v1 =	vcombine.low v2, v1;
	s29 =	sadd.s32 $0x5000, s3;
	[dreg:$0x7] =	wrdreg s28;
	v0 =	vsel vm13, $0x80A, v0  }
0x10: {  	s20 =	simm.s32 $0x6000;
	vm15 =	vcmask $0x3B38;
	s30 =	sadd.s32 $0x4000, s3;
	[dreg:$0x8] =	wrdreg s29;
	v2 =	vsel vm14, $0x80B, v0  }
0x11: {  	s21 =	simm.s32 $0x7000;
	s4 =	simm.s32 $0x0;
	[dreg:$0x9] =	wrdreg s30;
	v0 =	vand.u32 $0xF, v1;
	v1 =	vsel vm15, $0x809, v2  }
.LBB2_48:
0x12: {  	s0 =	simm.s32 $0x9  }
0x13: {  	_ =	swait.ge [sflag:s0], $0x1000  }
0x14: {  	[sflag:s0] =	ssyncset.done $0x0  }
0x15: {  	s24 =	simm.s32 $0xA;
	[sflag:s0] =	ssyncadd.s32 $0xFFFFF000  }
0x16: {  	_ =	swait.ge [sflag:s24], $0x1000  }
0x17: {  	[sflag:s24] =	ssyncset.done $0x0  }
0x18: {  	s25 =	simm.s32 $0xB;
	[sflag:s24] =	ssyncadd.s32 $0xFFFFF000  }
0x19: {  	_ =	swait.ge [sflag:s25], $0x1000  }
0x1a: {  	[sflag:s25] =	ssyncset.done $0x0  }
0x1b: {  	s26 =	simm.s32 $0xC;
	[sflag:s25] =	ssyncadd.s32 $0xFFFFF000  }
0x1c: {  	_ =	swait.ge [sflag:s26], $0x1000  }
0x1d: {  	[sflag:s26] =	ssyncset.done $0x0  }
0x1e: {  	s28 =	simm.s32 $0xD;
	[sflag:s26] =	ssyncadd.s32 $0xFFFFF000  }
0x1f: {  	_ =	swait.ge [sflag:s28], $0x1000  }
0x20: {  	[sflag:s28] =	ssyncset.done $0x0  }
0x21: {  	s29 =	simm.s32 $0xE;
	[sflag:s28] =	ssyncadd.s32 $0xFFFFF000  }
0x22: {  	_ =	swait.ge [sflag:s29], $0x1000  }
0x23: {  	[sflag:s29] =	ssyncset.done $0x0  }
0x24: {  	s30 =	simm.s32 $0xF;
	[sflag:s29] =	ssyncadd.s32 $0xFFFFF000  }
0x25: {  	_ =	swait.ge [sflag:s30], $0x1000  }
0x26: {  	[sflag:s30] =	ssyncset.done $0x0  }
0x27: {  	s1 =	simm.s32 $0x10;
	[sflag:s30] =	ssyncadd.s32 $0xFFFFF000  }
0x28: {  	_ =	swait.ge [sflag:s1], $0x1000  }
0x29: {  	s4 =	rddreg [dreg:$0xc]  }
0x2a: {  	s31 =	rddreg [dreg:$0xb];
	s4 =	sadd.s32 $0x1, s4  }
0x2b: {  	p0 =	sne.s32 s4, s31  }
.Ltmp1:
0x2c: {  	_ = 	snop;
	(pc) =	sbr.rel @!p0 .LBB2_49-.Ltmp1, $3  }
0x2d: {  	_ =	sdelay $0x1  }
0x2e: {  	[sflag:s1] =	ssyncset.done $0x0  }
0x2f: {  	[sflag:s1] =	ssyncadd.s32 $0xFFFFF000  }
.LBB2_1:
0x30: {  	[dreg:$0xc] =	wrdreg s4  }
0x31: {  	[tilespmem:s2], [sflag:$0x1] =	stream.strided.gather [hbm4b:s3+s17], $0x1000, s13, s17, $0x38;
	[tilespmem:$0x10000] =	vst v63  }
0x32: {  	s0 =	rddreg [dreg:$0x3]  }
0x33: {  	[tilespmem:s14], [sflag:$0x2] =	stream.strided.gather [hbm4b:s0+s17], $0x1000, s13, s17, $0x38;
	[tilespmem:$0x10000] =	vst v63  }
0x34: {  	s25 =	rddreg [dreg:$0x4]  }
0x35: {  	[tilespmem:s15], [sflag:$0x3] =	stream.strided.gather [hbm4b:s25+s17], $0x1000, s13, s17, $0x38;
	[tilespmem:$0x10000] =	vst v63  }
0x36: {  	s26 =	rddreg [dreg:$0x5]  }
0x37: {  	[tilespmem:s16], [sflag:$0x4] =	stream.strided.gather [hbm4b:s26+s17], $0x1000, s13, s17, $0x38;
	[tilespmem:$0x10000] =	vst v63  }
0x38: {  	s28 =	rddreg [dreg:$0x6]  }
0x39: {  	[tilespmem:s18], [sflag:$0x5] =	stream.strided.gather [hbm4b:s28+s17], $0x1000, s13, s17, $0x38;
	[tilespmem:$0x10000] =	vst v63  }
0x3a: {  	s29 =	rddreg [dreg:$0x7]  }
0x3b: {  	[tilespmem:s19], [sflag:$0x6] =	stream.strided.gather [hbm4b:s29+s17], $0x1000, s13, s17, $0x38;
	[tilespmem:$0x10000] =	vst v63  }
0x3c: {  	s30 =	rddreg [dreg:$0x8]  }
0x3d: {  	[tilespmem:s20], [sflag:$0x7] =	stream.strided.gather [hbm4b:s30+s17], $0x1000, s13, s17, $0x38;
	[tilespmem:$0x10000] =	vst v63  }
0x3e: {  	s31 =	rddreg [dreg:$0x9];
	s6 =	simm.s32 $0x0  }
0x3f: {  	[tilespmem:s21], [sflag:$0x8] =	stream.strided.gather [hbm4b:s31+s17], $0x1000, s13, s17, $0x38;
	[tilespmem:$0x10000] =	vst v63  }
.LBB2_2:
0x40: {  	s0 =	simm.s32 $0x1;
	p0 =	seq.s32 s6, $0x0  }
0x41: {  	s1 =	simm.s32 $0x38;
	s9 =	simm.s32 $0x70;
	s11 =	simm.s32 $0x30  }
0x42: {  	s23 =	simm.s32 $0x18;
	s4 =	simm.s32 $0x0;
	s7 =	simm.s32 $0x10  }
0x43: {  	s10 =	simm.s32 $0x8;
	s11 =	sxor.u32 s23, s11;
	s1 =	sxor.u32 s1, s9  }
0x44: {  	s25 =	simm.s32 $0x20;
	s22 =	simm.s32 $0x10;
	_ =	swait.ge [sflag:s0], $0x1000;
	v2 =	vmov s11;
	v3 =	vxor.u32 s11, v0;
	v4 =	vmov s1  }
0x45: {  	s29 =	simm.s32 $0x40;
	s5 =	simm.s32 $0x20;
	[sflag:s0] =	ssyncset.done $0x0;
	v5 =	vxor.u32 s1, v0;
	v2 =	vand.u32 $0xF80, v2;
	v3 =	vand.u32 $0x6F, v3  }
0x46: {  	s9 =	sxor.u32 s10, s7;
	[sflag:s0] =	ssyncadd.s32 $0xFFFFF000;
	s0 =	simm.s32 @!p0 $0x9;
	v2 =	vor.u32 v2, v3;
	v3 =	vand.u32 $0xF80, v4;
	v4 =	vand.u32 $0x4F, v5  }
0x47: {  	s8 =	simm.s32 $0x50;
	s12 =	simm.s32 $0x0;
	_ =	swait.ge @!p0 [sflag:s0], $0x1000;
	v3 =	vor.u32 v3, v4;
	v4 =	vxor.u32 s9, v0  }
0x48: {  	s24 =	simm.s32 $0x28;
	s1 =	sxor.u32 s22, s25;
	[sflag:s0] =	ssyncset.done @!p0 $0x0  }
0x49: {  	s30 =	simm.s32 $0x60;
	v6 =	vor.u32 s1, v0;
	[sflag:s0] =	ssyncadd.s32 @!p0 $0xFFFFF000;
	s0 =	sxor.u32 s4, s12  }
0x4a: {  	s31 =	simm.s32 $0x58;
	s5 =	sxor.u32 s5, s29;
	s29 =	simm.s32 $0xB0;
	v5 =	vor.u32 s0, v0  }
0x4b: {  	s26 =	simm.s32 $0x30;
	s28 =	sxor.u32 s24, s8;
	v7 =	vor.u32 s5, v0;
	s1 =	sxor.u32 s31, s29;
	v2 =	vld.idx.msk [tilespmem:v2+s2+$0x0], $0xffff  }
0x4c: {  	s23 =	simm.s32 $0x8040;
	s7 =	simm.s32 $0xF0;
	s10 =	sxor.u32 s26, s30;
	v8 =	vxor.u32 s28, v0;
	v9 =	vmov s1;
	v10 =	vxor.u32 s1, v0;
	v13 =	vld.idx.msk [tilespmem:v4+s2+$0x0], $0xffff  }
0x4d: {  	s8 =	simm.s32 $0x40;
	s24 =	simm.s32 $0x48;
	v12 =	vor.u32 s10, v0;
	s4 =	simm.s32 $0x78;
	v3 =	vld.idx.msk [tilespmem:v3+s2+$0x0], $0xffff;
	v4 =	vand.u32 $0xF80, v9;
	v9 =	vand.u32 $0x6F, v10  }
0x4e: {  	s26 =	simm.s32 $0x50;
	s25 =	simm.s32 $0xA0;
	s5 =	sxor.u32 s4, s7;
	v9 =	vor.u32 v4, v9;
	v4 =	vld.idx.msk [tilespmem:v6+s2+$0x0], $0xffff  }
0x4f: {  	s28 =	simm.s32 $0xC0;
	s22 =	simm.s32 $0xE0;
	s31 =	simm.s32 $0x60;
	v6 =	vxor.u32 s5, v0;
	v14 =	vld.idx.msk [tilespmem:v5+s2+$0x0], $0xffff;
	v5 =	vmov s5  }
0x50: {  	s10 =	simm.s32 $0x80;
	s28 =	sxor.u32 s31, s28;
	s12 =	simm.s32 $0x90;
	v7 =	vld.idx.msk [tilespmem:v7+s2+$0x0], $0xffff;
	v6 =	vand.u32 $0x4F, v6;
	[tilespmem:s23+$0xFFFFFFF0] =	vst v2;
	v2 =	vand.u32 $0xF80, v5  }
0x51: {  	s4 =	simm.s32 $0xD0;
	s7 =	simm.s32 $0x68;
	s0 =	sxor.u32 s24, s12;
	v8 =	vld.idx.msk [tilespmem:v8+s2+$0x0], $0xffff;
	[tilespmem:s23+$0xFFFFFFD0] =	vst v13;
	v13 =	vor.u32 v2, v6  }
0x52: {  	s24 =	sxor.u32 s26, s25;
	s26 =	simm.s32 $0x70;
	v11 =	vxor.u32 s0, v0;
	v10 =	vld.idx.msk [tilespmem:v12+s2+$0x0], $0xffff;
	s5 =	sxor.u32 s8, s10  }
0x53: {  	s11 =	simm.s32 $0xB8;
	s30 =	sxor.u32 s7, s4;
	s31 =	sxor.u32 s26, s22;
	v12 =	vor.u32 s5, v0;
	v5 =	vor.u32 s28, v0;
	[tilespmem:s23+$0x30] =	vst v3;
	v3 =	vor.u32 s24, v0  }
0x54: {  	s9 =	sshll.u32 s6, $0x3;
	s25 =	simm.s32 $0x170;
	s0 =	simm.s32 $0x8;
	v6 =	vxor.u32 s30, v0;
	v2 =	vor.u32 s31, v0;
	v9 =	vld.idx.msk [tilespmem:v9+s2+$0x0], $0xffff;
	[tilespmem:s23+$0xFFFFFFC0] =	vst v14  }
.LBB2_3:
0x55: {  	s1 =	sadd.s32 $0xFFFFFFC0, s25  }
0x56: {  	s5 =	sadd.s32 $0xFFFFFFE0, s11;
	s0 =	sadd.s32 $0x8, s0;
	v14 =	vld.idx.msk [tilespmem:v13+s2+$0x0], $0xffff;
	[tilespmem:s23+$0xFFFFFFE0] =	vst v4;
	s8 =	sadd.s32 $0xFFFFFFC8, s11  }
0x57: {  	s1 =	sxor.u32 s5, s1;
	s5 =	sxor.u32 s11, s25;
	p1 =	slt.u32 s0, $0xF8;
	[tilespmem:s23+$0x0] =	vst v7  }
0x58: {  	s12 =	sadd.s32 $0xFFFFFFA0, s25;
	s22 =	sadd.s32 $0xFFFFFFD0, s11;
	s29 =	sadd.s32 $0xFFFFFFD8, s11;
	v4 =	vmov s1;
	v7 =	vxor.u32 s1, v0;
	v13 =	vmov s5;
	v15 =	vld.idx.msk [tilespmem:v11+s2+$0x0], $0xffff;
	[tilespmem:s23+$0x10] =	vst v8  }
0x59: {  	s30 =	sadd.s32 $0xFFFFFFD0, s25;
	s24 =	sadd.s32 $0xFFFFFFE0, s25;
	s1 =	sadd.s32 $0xFFFFFFB0, s25;
	v8 =	vxor.u32 s5, v0;
	v4 =	vand.u32 $0xF80, v4;
	v7 =	vand.u32 $0x6F, v7;
	v16 =	vld.idx.msk [tilespmem:v12+s2+$0x0], $0xffff;
	[tilespmem:s23+$0x20] =	vst v10  }
0x5a: {  	s28 =	sadd.s32 $0xFFFFFFF0, s11;
	s5 =	sadd.s32 $0xFFFFFFE8, s11;
	v8 =	vand.u32 $0x4F, v8;
	s23 =	sadd.s32 $0x80, s23;
	v17 =	vor.u32 v4, v7;
	v7 =	vand.u32 $0xF80, v13;
	v4 =	vld.idx.msk [tilespmem:v3+s2+$0x0], $0xffff  }
.Ltmp2:
0x5b: {  	s31 =	sadd.s32 $0xFFFFFFF0, s25;
	s4 =	sadd.s32 $0xFFFFFFF8, s11;
	v13 =	vor.u32 v7, v8;
	[tilespmem:s23+$0xFFFFFFF0] =	vst v9;
	v7 =	vld.idx.msk [tilespmem:v5+s2+$0x0], $0xffff;
	(pc) =	sbr.rel @p1 .LBB2_3-.Ltmp2, $4  }
0x5c: {  	s7 =	sadd.s32 $0xFFFFFF90, s25;
	s12 =	sxor.u32 s22, s12;
	s1 =	sxor.u32 s29, s1;
	v8 =	vld.idx.msk [tilespmem:v6+s2+$0x0], $0xffff;
	[tilespmem:s23+$0x30] =	vst v14  }
0x5d: {  	s7 =	sxor.u32 s8, s7;
	v11 =	vxor.u32 s12, v0;
	v3 =	vor.u32 s1, v0;
	s1 =	sxor.u32 s5, s30;
	s5 =	sxor.u32 s28, s24;
	v10 =	vld.idx.msk [tilespmem:v2+s2+$0x0], $0xffff  }
0x5e: {  	v12 =	vor.u32 s7, v0;
	v5 =	vor.u32 s1, v0;
	s1 =	sxor.u32 s4, s31;
	v6 =	vxor.u32 s5, v0;
	[tilespmem:s23+$0xFFFFFFD0] =	vst v15  }
0x5f: {  	s11 =	sadd.s32 $0x40, s11;
	s25 =	sadd.s32 $0x80, s25;
	v2 =	vor.u32 s1, v0;
	v9 =	vld.idx.msk [tilespmem:v17+s2+$0x0], $0xffff;
	[tilespmem:s23+$0xFFFFFFC0] =	vst v16  }
0x60: {  	_ =	sdelay $0x3  }
0x61: {  	v13 =	vld.idx.msk [tilespmem:v13+s2+$0x0], $0xffff;
	[tilespmem:s23+$0xFFFFFFE0] =	vst v4  }
0x62: {  	[tilespmem:s23+$0x0] =	vst v7;
	v62 =	vld.idx.msk [tilespmem:v11+s2+$0x0], $0xffff  }
0x63: {  	v63 =	vld.idx.msk [tilespmem:v12+s2+$0x0], $0xffff;
	[tilespmem:s23+$0x10] =	vst v8  }
0x64: {  	v3 =	vld.idx.msk [tilespmem:v3+s2+$0x0], $0xffff;
	s0 =	sadd.s32 $0x80, s23;
	[tilespmem:s23+$0x20] =	vst v10  }
0x65: {  	v5 =	vld.idx.msk [tilespmem:v5+s2+$0x0], $0xffff;
	[tilespmem:s0+$0xFFFFFFF0] =	vst v9  }
0x66: {  	v6 =	vld.idx.msk [tilespmem:v6+s2+$0x0], $0xffff;
	[tilespmem:s0+$0x30] =	vst v13  }
0x67: {  	v2 =	vld.idx.msk [tilespmem:v2+s2+$0x0], $0xffff;
	[tilespmem:s0+$0xFFFFFFD0] =	vst v62  }
0x68: {  	[tilespmem:s0+$0xFFFFFFC0] =	vst v63  }
0x69: {  	[tilespmem:s0+$0xFFFFFFE0] =	vst v3  }
0x6a: {  	p1 =	sne.s32 s6, $0x1F;
	[tilespmem:s0+$0x0] =	vst v5  }
.Ltmp3:
0x6b: {  	[tilespmem:s0+$0x10] =	vst v6;
	(pc) =	sbr.rel @p1 .LBB2_6-.Ltmp3, $4  }
0x6c: {  	[tilespmem:s0+$0x20] =	vst v2  }
0x6d: {  	s1 =	sshll.u32 s6, $0xF;
	s0 =	rddreg [dreg:$0xa]  }
0x6e: {  	s31 =	simm.s32 $0x8000;
	s23 =	sadd.s32 s1, s0  }
0x6f: {  	[hbm4b:s23+s17] =	stream.strided.scatter [tilespmem:s31], [sflag:$0x9], $0x1000, s13, s17, $0x38;
	[tilespmem:$0x10000] =	vst v63  }
.Ltmp4:
0x70: {  	(pc) =	sbr.rel .LBB2_7-.Ltmp4, $4  }
0x71: {  	s0 =	simm.s32 $0x2  }
0x72: {  	_ =	swait.ge [sflag:s0], $0x1000  }
0x73: {  	[sflag:s0] =	ssyncset.done $0x0  }
0x74: {  	[sflag:s0] =	ssyncadd.s32 $0xFFFFF000  }
.LBB2_6:
0x75: {  	s0 =	sadd.s32 $0x8, s9  }
0x76: {  	s1 =	sshrl.u32 s0, $0x1  }
0x77: {  	s0 =	sxor.u32 s0, s1  }
0x78: {  	s0 =	sshll.u32 s0, $0xC  }
0x79: {  	s0 =	sand.u32 $0x1FFFC000, s0  }
.Ltmp5:
0x7a: {  	s31 =	simm.s32 $0x2;
	s0 =	sadd.s32 s3, s0;
	(pc) =	sbr.rel @p0 .LBB2_8-.Ltmp5, $4  }
0x7b: {  	[tilespmem:s2], [sflag:$0x1] =	stream.strided.gather [hbm4b:s0+s17], $0x1000, s13, s17, $0x38;
	[tilespmem:$0x10000] =	vst v63  }
0x7c: {  	_ =	swait.ge [sflag:s31], $0x1000  }
0x7d: {  	[sflag:s31] =	ssyncset.done $0x0  }
0x7e: {  	[sflag:s31] =	ssyncadd.s32 $0xFFFFF000  }
.LBB2_7:
0x7f: {  	s0 =	simm.s32 $0xA  }
0x80: {  	_ =	swait.ge [sflag:s0], $0x1000  }
0x81: {  	[sflag:s0] =	ssyncset.done $0x0  }
0x82: {  	[sflag:s0] =	ssyncadd.s32 $0xFFFFF000  }
.LBB2_8:
0x83: {  	s1 =	simm.s32 $0x38;
	s4 =	simm.s32 $0x70  }
0x84: {  	s0 =	simm.s32 $0x9040;
	s5 =	simm.s32 $0x60;
	s7 =	simm.s32 $0x30  }
0x85: {  	s8 =	simm.s32 $0x0;
	s26 =	simm.s32 $0x10;
	s11 =	simm.s32 $0x8  }
0x86: {  	s12 =	simm.s32 $0x20;
	s22 =	simm.s32 $0x0;
	s5 =	sxor.u32 s7, s5  }
0x87: {  	s28 =	simm.s32 $0x10;
	s24 =	simm.s32 $0x30;
	s8 =	sxor.u32 s8, s22;
	v2 =	vxor.u32 s5, v1  }
0x88: {  	s30 =	simm.s32 $0x18;
	s25 =	simm.s32 $0x40;
	s7 =	sxor.u32 s11, s26;
	v3 =	vxor.u32 s8, v1  }
0x89: {  	s31 =	simm.s32 $0x20;
	s10 =	simm.s32 $0x50;
	s5 =	sxor.u32 s28, s12;
	v4 =	vxor.u32 s7, v1  }
0x8a: {  	s29 =	simm.s32 $0x80;
	s26 =	simm.s32 $0x28;
	s28 =	sxor.u32 s30, s24;
	v6 =	vxor.u32 s5, v1  }
0x8b: {  	s1 =	sxor.u32 s1, s4;
	s4 =	simm.s32 $0x78;
	s8 =	sxor.u32 s31, s25;
	v7 =	vxor.u32 s28, v1  }
0x8c: {  	s7 =	sxor.u32 s26, s10;
	s30 =	simm.s32 $0xE0;
	s31 =	simm.s32 $0x70;
	v8 =	vxor.u32 s8, v1;
	v2 =	vld.idx.msk [tilespmem:v2+s14+$0x0], $0xffff  }
0x8d: {  	s11 =	simm.s32 $0x40;
	s22 =	simm.s32 $0xA0;
	s5 =	sxor.u32 s31, s30;
	v12 =	vxor.u32 s7, v1;
	v14 =	vld.idx.msk [tilespmem:v3+s14+$0x0], $0xffff  }
0x8e: {  	s12 =	simm.s32 $0x90;
	s10 =	simm.s32 $0x50;
	s24 =	simm.s32 $0xB0;
	v9 =	vxor.u32 s5, v1;
	v5 =	vld.idx.msk [tilespmem:v4+s14+$0x0], $0xffff  }
0x8f: {  	v16 =	vxor.u32 s1, v1;
	s25 =	simm.s32 $0x58;
	s26 =	simm.s32 $0xC0;
	s11 =	sxor.u32 s11, s29;
	v6 =	vld.idx.msk [tilespmem:v6+s14+$0x0], $0xffff  }
0x90: {  	s7 =	simm.s32 $0x48;
	s28 =	simm.s32 $0x60;
	s30 =	simm.s32 $0xD0;
	v7 =	vld.idx.msk [tilespmem:v7+s14+$0x0], $0xffff  }
0x91: {  	s31 =	simm.s32 $0x68;
	s1 =	sxor.u32 s25, s24;
	s5 =	sxor.u32 s7, s12;
	v3 =	vld.idx.msk [tilespmem:v8+s14+$0x0], $0xffff  }
0x92: {  	s8 =	simm.s32 $0xF0;
	v15 =	vxor.u32 s11, v1;
	s28 =	sxor.u32 s28, s26;
	s30 =	sxor.u32 s31, s30;
	v10 =	vxor.u32 s1, v1;
	v11 =	vxor.u32 s5, v1;
	v12 =	vld.idx.msk [tilespmem:v12+s14+$0x0], $0xffff  }
0x93: {  	s29 =	simm.s32 $0x170;
	s7 =	sxor.u32 s10, s22;
	s31 =	sxor.u32 s4, s8;
	v4 =	vxor.u32 s30, v1;
	v8 =	vxor.u32 s28, v1;
	v13 =	vld.idx.msk [tilespmem:v9+s14+$0x0], $0xffff;
	[tilespmem:s0+$0x20] =	vst v2  }
0x94: {  	s11 =	simm.s32 $0x8;
	s25 =	simm.s32 $0xB8;
	s1 =	simm.s32 $0x9040;
	v9 =	vxor.u32 s7, v1;
	v2 =	vxor.u32 s31, v1;
	[tilespmem:s0+$0xFFFFFFC0] =	vst v14;
	v14 =	vld.idx.msk [tilespmem:v16+s14+$0x0], $0xffff  }
.LBB2_9:
0x95: {  	s4 =	sadd.s32 $0xFFFFFFF0, s29  }
0x96: {  	s5 =	sadd.s32 $0xFFFFFFF8, s25;
	s11 =	sadd.s32 $0x8, s11;
	[tilespmem:s0+$0xFFFFFFD0] =	vst v5;
	s7 =	sadd.s32 $0xFFFFFFC8, s25  }
0x97: {  	s8 =	sadd.s32 $0xFFFFFFD0, s25;
	s4 =	sxor.u32 s5, s4;
	p2 =	slt.u32 s11, $0xF8;
	[tilespmem:s0+$0xFFFFFFE0] =	vst v6  }
0x98: {  	s12 =	sadd.s32 $0xFFFFFFD8, s25;
	s5 =	sadd.s32 $0xFFFFFFA0, s29;
	s0 =	sadd.s32 $0x80, s0;
	v16 =	vxor.u32 s4, v1;
	v17 =	vld.idx.msk [tilespmem:v15+s14+$0x0], $0xffff;
	[tilespmem:s1+$0xFFFFFFF0] =	vst v7  }
0x99: {  	s22 =	sadd.s32 $0xFFFFFFC0, s29;
	s24 =	sadd.s32 $0xFFFFFFE0, s25;
	s4 =	sadd.s32 $0xFFFFFFB0, s29;
	v5 =	vld.idx.msk [tilespmem:v11+s14+$0x0], $0xffff;
	[tilespmem:s0+$0x20] =	vst v13  }
0x9a: {  	s28 =	sadd.s32 $0xFFFFFFD0, s29;
	s30 =	sadd.s32 $0xFFFFFFE8, s25;
	s31 =	sadd.s32 $0xFFFFFF90, s29;
	v6 =	vld.idx.msk [tilespmem:v9+s14+$0x0], $0xffff;
	[tilespmem:s1+$0x0] =	vst v3  }
.Ltmp6:
0x9b: {  	s10 =	sadd.s32 $0xFFFFFFE0, s29;
	s26 =	sadd.s32 $0xFFFFFFF0, s25;
	v7 =	vld.idx.msk [tilespmem:v10+s14+$0x0], $0xffff;
	[tilespmem:s1+$0x10] =	vst v12;
	(pc) =	sbr.rel @p2 .LBB2_9-.Ltmp6, $4  }
0x9c: {  	s7 =	sxor.u32 s7, s31;
	s5 =	sxor.u32 s8, s5;
	s4 =	sxor.u32 s12, s4;
	v3 =	vld.idx.msk [tilespmem:v8+s14+$0x0], $0xffff;
	[tilespmem:s1+$0x30] =	vst v14  }
0x9d: {  	v15 =	vxor.u32 s7, v1;
	v11 =	vxor.u32 s5, v1;
	s5 =	sxor.u32 s26, s10;
	v9 =	vxor.u32 s4, v1;
	s4 =	sxor.u32 s30, s28;
	s1 =	sxor.u32 s24, s22;
	v13 =	vld.idx.msk [tilespmem:v16+s14+$0x0], $0xffff  }
0x9e: {  	v8 =	vxor.u32 s4, v1;
	s4 =	sxor.u32 s25, s29;
	v10 =	vxor.u32 s1, v1;
	s1 =	smov.u32 s0;
	v12 =	vld.idx.msk [tilespmem:v4+s14+$0x0], $0xffff;
	v4 =	vxor.u32 s5, v1  }
0x9f: {  	s25 =	sadd.s32 $0x40, s25;
	s29 =	sadd.s32 $0x80, s29;
	[tilespmem:s0+$0xFFFFFFC0] =	vst v17;
	v14 =	vld.idx.msk [tilespmem:v2+s14+$0x0], $0xffff;
	v2 =	vxor.u32 s4, v1  }
0xa0: {  	_ =	sdelay $0x1  }
0xa1: {  	[tilespmem:s0+$0xFFFFFFD0] =	vst v5  }
0xa2: {  	[tilespmem:s0+$0xFFFFFFE0] =	vst v6  }
0xa3: {  	v61 =	vld.idx.msk [tilespmem:v15+s14+$0x0], $0xffff;
	[tilespmem:s1+$0xFFFFFFF0] =	vst v7  }
0xa4: {  	s29 =	sadd.s32 $0x80, s0;
	v62 =	vld.idx.msk [tilespmem:v11+s14+$0x0], $0xffff;
	[tilespmem:s1+$0x0] =	vst v3  }
0xa5: {  	v63 =	vld.idx.msk [tilespmem:v9+s14+$0x0], $0xffff;
	[tilespmem:s29+$0x20] =	vst v13  }
0xa6: {  	v8 =	vld.idx.msk [tilespmem:v8+s14+$0x0], $0xffff;
	[tilespmem:s1+$0x10] =	vst v12  }
0xa7: {  	v4 =	vld.idx.msk [tilespmem:v4+s14+$0x0], $0xffff;
	[tilespmem:s1+$0x30] =	vst v14  }
0xa8: {  	v2 =	vld.idx.msk [tilespmem:v2+s14+$0x0], $0xffff;
	[tilespmem:s29+$0xFFFFFFC0] =	vst v61  }
0xa9: {  	v3 =	vld.idx.msk [tilespmem:v10+s14+$0x0], $0xffff;
	[tilespmem:s29+$0xFFFFFFD0] =	vst v62  }
0xaa: {  	[tilespmem:s29+$0xFFFFFFE0] =	vst v63  }
.Ltmp7:
0xab: {  	[tilespmem:s29+$0x0] =	vst v8;
	(pc) =	sbr.rel @p1 .LBB2_12-.Ltmp7, $4  }
0xac: {  	[tilespmem:s29+$0x10] =	vst v4  }
0xad: {  	[tilespmem:s29+$0x30] =	vst v2  }
0xae: {  	s30 =	sadd.s32 $0x1000, s23;
	s31 =	simm.s32 $0x9000;
	[tilespmem:s29+$0xFFFFFFF0] =	vst v3  }
0xaf: {  	[hbm4b:s30+s17] =	stream.strided.scatter [tilespmem:s31], [sflag:$0xA], $0x1000, s13, s17, $0x38;
	[tilespmem:$0x10000] =	vst v63  }
.Ltmp8:
0xb0: {  	(pc) =	sbr.rel .LBB2_13-.Ltmp8, $4  }
0xb1: {  	s0 =	simm.s32 $0x3  }
0xb2: {  	_ =	swait.ge [sflag:s0], $0x1000  }
0xb3: {  	[sflag:s0] =	ssyncset.done $0x0  }
0xb4: {  	[sflag:s0] =	ssyncadd.s32 $0xFFFFF000  }
.LBB2_12:
0xb5: {  	s0 =	sadd.s32 $0x9, s9  }
0xb6: {  	s1 =	sshrl.u32 s0, $0x1  }
0xb7: {  	s0 =	sxor.u32 s0, s1  }
0xb8: {  	s0 =	sshll.u32 s0, $0xC  }
0xb9: {  	s0 =	sand.u32 $0x1FFFD000, s0  }
.Ltmp9:
0xba: {  	s31 =	simm.s32 $0x3;
	s0 =	sadd.s32 s3, s0;
	(pc) =	sbr.rel @p0 .LBB2_14-.Ltmp9, $4  }
0xbb: {  	[tilespmem:s14], [sflag:$0x2] =	stream.strided.gather [hbm4b:s0+s17], $0x1000, s13, s17, $0x38;
	[tilespmem:$0x10000] =	vst v63  }
0xbc: {  	_ =	swait.ge [sflag:s31], $0x1000  }
0xbd: {  	[sflag:s31] =	ssyncset.done $0x0  }
0xbe: {  	[sflag:s31] =	ssyncadd.s32 $0xFFFFF000  }
.LBB2_13:
0xbf: {  	s0 =	simm.s32 $0xB  }
0xc0: {  	_ =	swait.ge [sflag:s0], $0x1000  }
0xc1: {  	[sflag:s0] =	ssyncset.done $0x0  }
0xc2: {  	[sflag:s0] =	ssyncadd.s32 $0xFFFFF000  }
.LBB2_14:
0xc3: {  	s0 =	simm.s32 $0x38  }
0xc4: {  	s1 =	simm.s32 $0x70;
	s4 =	simm.s32 $0x30;
	s5 =	simm.s32 $0x18  }
0xc5: {  	s4 =	sxor.u32 s5, s4;
	s1 =	sxor.u32 s0, s1  }
0xc6: {  	v2 =	vmov s4;
	v3 =	vxor.u32 s4, v0;
	v4 =	vmov s1  }
0xc7: {  	s24 =	simm.s32 $0x10;
	s7 =	simm.s32 $0x8;
	v5 =	vxor.u32 s1, v0;
	v2 =	vand.u32 $0xF80, v2;
	v3 =	vand.u32 $0x6F, v3  }
0xc8: {  	s31 =	simm.s32 $0x0;
	s22 =	simm.s32 $0x0;
	s4 =	sxor.u32 s7, s24;
	v2 =	vor.u32 v2, v3;
	v3 =	vand.u32 $0xF80, v4;
	v4 =	vand.u32 $0x4F, v5  }
0xc9: {  	s8 =	simm.s32 $0x20;
	s5 =	sxor.u32 s31, s22;
	v3 =	vor.u32 v3, v4;
	v4 =	vxor.u32 s4, v0  }
0xca: {  	s25 =	simm.s32 $0x10;
	s10 =	simm.s32 $0x40;
	s11 =	simm.s32 $0x20;
	v5 =	vor.u32 s5, v0  }
0xcb: {  	s12 =	simm.s32 $0x50;
	s26 =	simm.s32 $0x28;
	s28 =	simm.s32 $0x30  }
0xcc: {  	s30 =	sxor.u32 s11, s10;
	s31 =	sxor.u32 s26, s12;
	s10 =	simm.s32 $0xB0  }
0xcd: {  	s11 =	simm.s32 $0x58;
	s12 =	simm.s32 $0x78;
	s1 =	sxor.u32 s25, s8;
	v7 =	vor.u32 s30, v0;
	v2 =	vld.idx.msk [tilespmem:v2+s15+$0x0], $0xffff  }
0xce: {  	s22 =	simm.s32 $0xF0;
	s24 =	simm.s32 $0x60;
	v6 =	vor.u32 s1, v0;
	s5 =	sxor.u32 s11, s10;
	v13 =	vld.idx.msk [tilespmem:v4+s15+$0x0], $0xffff  }
0xcf: {  	s0 =	simm.s32 $0xA040;
	v8 =	vxor.u32 s31, v0;
	s26 =	sxor.u32 s12, s22;
	s25 =	sxor.u32 s28, s24;
	v9 =	vmov s5;
	v10 =	vxor.u32 s5, v0;
	v14 =	vld.idx.msk [tilespmem:v5+s15+$0x0], $0xffff  }
0xd0: {  	s8 =	simm.s32 $0x48;
	s12 =	simm.s32 $0xC0;
	s22 =	simm.s32 $0x60;
	v12 =	vor.u32 s25, v0;
	v3 =	vld.idx.msk [tilespmem:v3+s15+$0x0], $0xffff;
	v4 =	vand.u32 $0xF80, v9;
	v9 =	vand.u32 $0x6F, v10  }
0xd1: {  	s30 =	simm.s32 $0x68;
	s31 =	simm.s32 $0x80;
	s28 =	simm.s32 $0x40;
	v5 =	vxor.u32 s26, v0;
	v9 =	vor.u32 v4, v9;
	v4 =	vmov s26  }
0xd2: {  	s24 =	simm.s32 $0xD0;
	s10 =	simm.s32 $0xA0;
	s5 =	simm.s32 $0x90;
	v7 =	vld.idx.msk [tilespmem:v7+s15+$0x0], $0xffff;
	v5 =	vand.u32 $0x4F, v5;
	[tilespmem:s0+$0xFFFFFFF0] =	vst v2;
	v2 =	vand.u32 $0xF80, v4  }
0xd3: {  	s11 =	simm.s32 $0x50;
	s25 =	simm.s32 $0xE0;
	s1 =	sxor.u32 s8, s5;
	v6 =	vld.idx.msk [tilespmem:v6+s15+$0x0], $0xffff;
	[tilespmem:s0+$0xFFFFFFD0] =	vst v13;
	v13 =	vor.u32 v2, v5  }
0xd4: {  	s4 =	sxor.u32 s28, s31;
	s28 =	sxor.u32 s22, s12;
	v8 =	vld.idx.msk [tilespmem:v8+s15+$0x0], $0xffff;
	v11 =	vxor.u32 s1, v0;
	s26 =	simm.s32 $0x70;
	[tilespmem:s0+$0xFFFFFFC0] =	vst v14  }
0xd5: {  	s30 =	sxor.u32 s30, s24;
	s10 =	sxor.u32 s11, s10;
	v10 =	vld.idx.msk [tilespmem:v12+s15+$0x0], $0xffff;
	v12 =	vor.u32 s4, v0;
	s31 =	sxor.u32 s26, s25;
	v4 =	vor.u32 s28, v0;
	[tilespmem:s0+$0x30] =	vst v3  }
0xd6: {  	s29 =	simm.s32 $0x170;
	s11 =	simm.s32 $0x8;
	s25 =	simm.s32 $0xB8;
	v3 =	vor.u32 s10, v0;
	v5 =	vxor.u32 s30, v0;
	v2 =	vor.u32 s31, v0;
	v9 =	vld.idx.msk [tilespmem:v9+s15+$0x0], $0xffff  }
.LBB2_15:
0xd7: {  	s1 =	sadd.s32 $0xFFFFFFC0, s29  }
0xd8: {  	s4 =	sadd.s32 $0xFFFFFFE0, s25;
	s11 =	sadd.s32 $0x8, s11;
	v14 =	vld.idx.msk [tilespmem:v13+s15+$0x0], $0xffff;
	[tilespmem:s0+$0xFFFFFFE0] =	vst v6;
	s5 =	sadd.s32 $0xFFFFFFC8, s25  }
0xd9: {  	s1 =	sxor.u32 s4, s1;
	s4 =	sxor.u32 s25, s29;
	p2 =	slt.u32 s11, $0xF8;
	[tilespmem:s0+$0x0] =	vst v7  }
0xda: {  	s7 =	sadd.s32 $0xFFFFFFA0, s29;
	s8 =	sadd.s32 $0xFFFFFFD0, s25;
	s10 =	sadd.s32 $0xFFFFFFD8, s25;
	v6 =	vmov s1;
	v7 =	vxor.u32 s1, v0;
	v13 =	vmov s4;
	v15 =	vld.idx.msk [tilespmem:v11+s15+$0x0], $0xffff;
	[tilespmem:s0+$0x10] =	vst v8  }
0xdb: {  	s12 =	sadd.s32 $0xFFFFFFD0, s29;
	s22 =	sadd.s32 $0xFFFFFFE0, s29;
	s1 =	sadd.s32 $0xFFFFFFB0, s29;
	v8 =	vxor.u32 s4, v0;
	v6 =	vand.u32 $0xF80, v6;
	v7 =	vand.u32 $0x6F, v7;
	v16 =	vld.idx.msk [tilespmem:v12+s15+$0x0], $0xffff;
	[tilespmem:s0+$0x20] =	vst v10  }
0xdc: {  	s24 =	sadd.s32 $0xFFFFFFF0, s25;
	s4 =	sadd.s32 $0xFFFFFFE8, s25;
	v8 =	vand.u32 $0x4F, v8;
	s0 =	sadd.s32 $0x80, s0;
	v17 =	vor.u32 v6, v7;
	v7 =	vand.u32 $0xF80, v13;
	v6 =	vld.idx.msk [tilespmem:v3+s15+$0x0], $0xffff  }
.Ltmp10:
0xdd: {  	s26 =	sadd.s32 $0xFFFFFFF0, s29;
	s28 =	sadd.s32 $0xFFFFFFF8, s25;
	v13 =	vor.u32 v7, v8;
	[tilespmem:s0+$0xFFFFFFF0] =	vst v9;
	v7 =	vld.idx.msk [tilespmem:v4+s15+$0x0], $0xffff;
	(pc) =	sbr.rel @p2 .LBB2_15-.Ltmp10, $4  }
0xde: {  	s30 =	sadd.s32 $0xFFFFFF90, s29;
	s7 =	sxor.u32 s8, s7;
	s1 =	sxor.u32 s10, s1;
	v8 =	vld.idx.msk [tilespmem:v5+s15+$0x0], $0xffff;
	[tilespmem:s0+$0x30] =	vst v14  }
0xdf: {  	s5 =	sxor.u32 s5, s30;
	v11 =	vxor.u32 s7, v0;
	v3 =	vor.u32 s1, v0;
	s1 =	sxor.u32 s4, s12;
	s4 =	sxor.u32 s24, s22;
	v10 =	vld.idx.msk [tilespmem:v2+s15+$0x0], $0xffff  }
0xe0: {  	v12 =	vor.u32 s5, v0;
	v4 =	vor.u32 s1, v0;
	s1 =	sxor.u32 s28, s26;
	v5 =	vxor.u32 s4, v0;
	[tilespmem:s0+$0xFFFFFFD0] =	vst v15  }
0xe1: {  	s25 =	sadd.s32 $0x40, s25;
	s29 =	sadd.s32 $0x80, s29;
	v2 =	vor.u32 s1, v0;
	v9 =	vld.idx.msk [tilespmem:v17+s15+$0x0], $0xffff;
	[tilespmem:s0+$0xFFFFFFC0] =	vst v16  }
0xe2: {  	_ =	sdelay $0x3  }
0xe3: {  	v13 =	vld.idx.msk [tilespmem:v13+s15+$0x0], $0xffff;
	[tilespmem:s0+$0xFFFFFFE0] =	vst v6  }
0xe4: {  	[tilespmem:s0+$0x0] =	vst v7;
	v62 =	vld.idx.msk [tilespmem:v11+s15+$0x0], $0xffff  }
0xe5: {  	v63 =	vld.idx.msk [tilespmem:v12+s15+$0x0], $0xffff;
	[tilespmem:s0+$0x10] =	vst v8  }
0xe6: {  	v3 =	vld.idx.msk [tilespmem:v3+s15+$0x0], $0xffff;
	s30 =	sadd.s32 $0x80, s0;
	[tilespmem:s0+$0x20] =	vst v10  }
0xe7: {  	v4 =	vld.idx.msk [tilespmem:v4+s15+$0x0], $0xffff;
	[tilespmem:s30+$0xFFFFFFF0] =	vst v9  }
0xe8: {  	v5 =	vld.idx.msk [tilespmem:v5+s15+$0x0], $0xffff;
	[tilespmem:s30+$0x30] =	vst v13  }
0xe9: {  	v2 =	vld.idx.msk [tilespmem:v2+s15+$0x0], $0xffff;
	[tilespmem:s30+$0xFFFFFFD0] =	vst v62  }
0xea: {  	[tilespmem:s30+$0xFFFFFFC0] =	vst v63  }
.Ltmp11:
0xeb: {  	[tilespmem:s30+$0xFFFFFFE0] =	vst v3;
	(pc) =	sbr.rel @p1 .LBB2_18-.Ltmp11, $4  }
0xec: {  	[tilespmem:s30+$0x0] =	vst v4  }
0xed: {  	[tilespmem:s30+$0x10] =	vst v5  }
0xee: {  	s31 =	sadd.s32 $0x2000, s23;
	s1 =	simm.s32 $0xA000;
	[tilespmem:s30+$0x20] =	vst v2  }
0xef: {  	[hbm4b:s31+s17] =	stream.strided.scatter [tilespmem:s1], [sflag:$0xB], $0x1000, s13, s17, $0x38;
	[tilespmem:$0x10000] =	vst v63  }
.Ltmp12:
0xf0: {  	(pc) =	sbr.rel .LBB2_19-.Ltmp12, $4  }
0xf1: {  	s0 =	simm.s32 $0x4  }
0xf2: {  	_ =	swait.ge [sflag:s0], $0x1000  }
0xf3: {  	[sflag:s0] =	ssyncset.done $0x0  }
0xf4: {  	[sflag:s0] =	ssyncadd.s32 $0xFFFFF000  }
.LBB2_18:
0xf5: {  	s0 =	sadd.s32 $0xA, s9  }
0xf6: {  	s1 =	sshrl.u32 s0, $0x1  }
0xf7: {  	s0 =	sxor.u32 s0, s1  }
0xf8: {  	s0 =	sshll.u32 s0, $0xC  }
0xf9: {  	s0 =	sand.u32 $0x1FFFF000, s0  }
.Ltmp13:
0xfa: {  	s31 =	simm.s32 $0x4;
	s0 =	sadd.s32 s3, s0;
	(pc) =	sbr.rel @p0 .LBB2_20-.Ltmp13, $4  }
0xfb: {  	[tilespmem:s15], [sflag:$0x3] =	stream.strided.gather [hbm4b:s0+s17], $0x1000, s13, s17, $0x38;
	[tilespmem:$0x10000] =	vst v63  }
0xfc: {  	_ =	swait.ge [sflag:s31], $0x1000  }
0xfd: {  	[sflag:s31] =	ssyncset.done $0x0  }
0xfe: {  	[sflag:s31] =	ssyncadd.s32 $0xFFFFF000  }
.LBB2_19:
0xff: {  	s0 =	simm.s32 $0xC  }
0x100: {  	_ =	swait.ge [sflag:s0], $0x1000  }
0x101: {  	[sflag:s0] =	ssyncset.done $0x0  }
0x102: {  	[sflag:s0] =	ssyncadd.s32 $0xFFFFF000  }
.LBB2_20:
0x103: {  	s1 =	simm.s32 $0x38;
	s4 =	simm.s32 $0x70  }
0x104: {  	s0 =	simm.s32 $0xB040;
	s5 =	simm.s32 $0x60;
	s7 =	simm.s32 $0x30  }
0x105: {  	s8 =	simm.s32 $0x0;
	s28 =	simm.s32 $0x10;
	s10 =	simm.s32 $0x8  }
0x106: {  	s11 =	simm.s32 $0x20;
	s12 =	simm.s32 $0x0;
	s5 =	sxor.u32 s7, s5  }
0x107: {  	s30 =	simm.s32 $0x10;
	s22 =	simm.s32 $0x30;
	s8 =	sxor.u32 s8, s12;
	v2 =	vxor.u32 s5, v1  }
0x108: {  	s31 =	simm.s32 $0x18;
	s24 =	simm.s32 $0x40;
	s7 =	sxor.u32 s10, s28;
	v3 =	vxor.u32 s8, v1  }
0x109: {  	s25 =	simm.s32 $0x50;
	s26 =	simm.s32 $0x28;
	s28 =	sxor.u32 s31, s22;
	v4 =	vxor.u32 s7, v1  }
0x10a: {  	s29 =	simm.s32 $0x68;
	s10 =	simm.s32 $0x20;
	s5 =	sxor.u32 s30, s11;
	v7 =	vxor.u32 s28, v1  }
0x10b: {  	s31 =	simm.s32 $0x70;
	s1 =	sxor.u32 s1, s4;
	s8 =	sxor.u32 s10, s24;
	v6 =	vxor.u32 s5, v1  }
0x10c: {  	s4 =	simm.s32 $0x78;
	s7 =	sxor.u32 s26, s25;
	s30 =	simm.s32 $0xE0;
	v8 =	vxor.u32 s8, v1;
	v2 =	vld.idx.msk [tilespmem:v2+s16+$0x0], $0xffff  }
0x10d: {  	s12 =	simm.s32 $0xA0;
	s22 =	simm.s32 $0x50;
	s5 =	sxor.u32 s31, s30;
	v12 =	vxor.u32 s7, v1;
	v14 =	vld.idx.msk [tilespmem:v3+s16+$0x0], $0xffff  }
0x10e: {  	s10 =	simm.s32 $0x40;
	s11 =	simm.s32 $0x90;
	s24 =	simm.s32 $0xB0;
	v9 =	vxor.u32 s5, v1;
	v5 =	vld.idx.msk [tilespmem:v4+s16+$0x0], $0xffff  }
0x10f: {  	v16 =	vxor.u32 s1, v1;
	s25 =	simm.s32 $0x60;
	s26 =	simm.s32 $0x80;
	s28 =	simm.s32 $0xD0;
	v7 =	vld.idx.msk [tilespmem:v7+s16+$0x0], $0xffff  }
0x110: {  	s7 =	simm.s32 $0x48;
	s30 =	simm.s32 $0x58;
	s31 =	simm.s32 $0xC0;
	v6 =	vld.idx.msk [tilespmem:v6+s16+$0x0], $0xffff  }
0x111: {  	s10 =	sxor.u32 s10, s26;
	s5 =	sxor.u32 s7, s11;
	s1 =	sxor.u32 s30, s24;
	v3 =	vld.idx.msk [tilespmem:v8+s16+$0x0], $0xffff  }
0x112: {  	s8 =	simm.s32 $0xF0;
	v15 =	vxor.u32 s10, v1;
	s26 =	sxor.u32 s25, s31;
	s30 =	sxor.u32 s29, s28;
	v11 =	vxor.u32 s5, v1;
	v10 =	vxor.u32 s1, v1;
	v12 =	vld.idx.msk [tilespmem:v12+s16+$0x0], $0xffff  }
0x113: {  	s7 =	sxor.u32 s22, s12;
	s11 =	simm.s32 $0x8;
	s31 =	sxor.u32 s4, s8;
	v4 =	vxor.u32 s30, v1;
	v8 =	vxor.u32 s26, v1;
	v13 =	vld.idx.msk [tilespmem:v9+s16+$0x0], $0xffff;
	[tilespmem:s0+$0x20] =	vst v2  }
0x114: {  	s25 =	simm.s32 $0xB8;
	s29 =	simm.s32 $0x170;
	s1 =	simm.s32 $0xB040;
	v9 =	vxor.u32 s7, v1;
	v2 =	vxor.u32 s31, v1;
	[tilespmem:s0+$0xFFFFFFC0] =	vst v14;
	v14 =	vld.idx.msk [tilespmem:v16+s16+$0x0], $0xffff  }
.LBB2_21:
0x115: {  	s4 =	sadd.s32 $0xFFFFFFF0, s29  }
0x116: {  	s5 =	sadd.s32 $0xFFFFFFF8, s25;
	s11 =	sadd.s32 $0x8, s11;
	[tilespmem:s0+$0xFFFFFFD0] =	vst v5;
	s7 =	sadd.s32 $0xFFFFFFC8, s25  }
0x117: {  	s8 =	sadd.s32 $0xFFFFFFD0, s25;
	s4 =	sxor.u32 s5, s4;
	p2 =	slt.u32 s11, $0xF8;
	[tilespmem:s0+$0xFFFFFFE0] =	vst v6  }
0x118: {  	s10 =	sadd.s32 $0xFFFFFFD8, s25;
	s5 =	sadd.s32 $0xFFFFFFA0, s29;
	s0 =	sadd.s32 $0x80, s0;
	v16 =	vxor.u32 s4, v1;
	v17 =	vld.idx.msk [tilespmem:v15+s16+$0x0], $0xffff;
	[tilespmem:s1+$0xFFFFFFF0] =	vst v7  }
0x119: {  	s12 =	sadd.s32 $0xFFFFFFC0, s29;
	s22 =	sadd.s32 $0xFFFFFFE0, s25;
	s4 =	sadd.s32 $0xFFFFFFB0, s29;
	v5 =	vld.idx.msk [tilespmem:v11+s16+$0x0], $0xffff;
	[tilespmem:s0+$0x20] =	vst v13  }
0x11a: {  	s24 =	sadd.s32 $0xFFFFFFD0, s29;
	s26 =	sadd.s32 $0xFFFFFFE8, s25;
	s28 =	sadd.s32 $0xFFFFFF90, s29;
	v6 =	vld.idx.msk [tilespmem:v9+s16+$0x0], $0xffff;
	[tilespmem:s1+$0x0] =	vst v3  }
.Ltmp14:
0x11b: {  	s30 =	sadd.s32 $0xFFFFFFE0, s29;
	s31 =	sadd.s32 $0xFFFFFFF0, s25;
	v7 =	vld.idx.msk [tilespmem:v10+s16+$0x0], $0xffff;
	[tilespmem:s1+$0x10] =	vst v12;
	(pc) =	sbr.rel @p2 .LBB2_21-.Ltmp14, $4  }
0x11c: {  	s7 =	sxor.u32 s7, s28;
	s5 =	sxor.u32 s8, s5;
	s4 =	sxor.u32 s10, s4;
	v3 =	vld.idx.msk [tilespmem:v8+s16+$0x0], $0xffff;
	[tilespmem:s1+$0x30] =	vst v14  }
0x11d: {  	v15 =	vxor.u32 s7, v1;
	v11 =	vxor.u32 s5, v1;
	s5 =	sxor.u32 s31, s30;
	v9 =	vxor.u32 s4, v1;
	s4 =	sxor.u32 s26, s24;
	s1 =	sxor.u32 s22, s12;
	v13 =	vld.idx.msk [tilespmem:v16+s16+$0x0], $0xffff  }
0x11e: {  	v8 =	vxor.u32 s4, v1;
	s4 =	sxor.u32 s25, s29;
	v10 =	vxor.u32 s1, v1;
	s1 =	smov.u32 s0;
	v12 =	vld.idx.msk [tilespmem:v4+s16+$0x0], $0xffff;
	v4 =	vxor.u32 s5, v1  }
0x11f: {  	s25 =	sadd.s32 $0x40, s25;
	s29 =	sadd.s32 $0x80, s29;
	[tilespmem:s0+$0xFFFFFFC0] =	vst v17;
	v14 =	vld.idx.msk [tilespmem:v2+s16+$0x0], $0xffff;
	v2 =	vxor.u32 s4, v1  }
0x120: {  	_ =	sdelay $0x1  }
0x121: {  	[tilespmem:s0+$0xFFFFFFD0] =	vst v5  }
0x122: {  	[tilespmem:s0+$0xFFFFFFE0] =	vst v6  }
0x123: {  	v61 =	vld.idx.msk [tilespmem:v15+s16+$0x0], $0xffff;
	[tilespmem:s1+$0xFFFFFFF0] =	vst v7  }
0x124: {  	s29 =	sadd.s32 $0x80, s0;
	v62 =	vld.idx.msk [tilespmem:v11+s16+$0x0], $0xffff;
	[tilespmem:s1+$0x0] =	vst v3  }
0x125: {  	v63 =	vld.idx.msk [tilespmem:v9+s16+$0x0], $0xffff;
	[tilespmem:s29+$0x20] =	vst v13  }
0x126: {  	v8 =	vld.idx.msk [tilespmem:v8+s16+$0x0], $0xffff;
	[tilespmem:s1+$0x10] =	vst v12  }
0x127: {  	v4 =	vld.idx.msk [tilespmem:v4+s16+$0x0], $0xffff;
	[tilespmem:s1+$0x30] =	vst v14  }
0x128: {  	v2 =	vld.idx.msk [tilespmem:v2+s16+$0x0], $0xffff;
	[tilespmem:s29+$0xFFFFFFC0] =	vst v61  }
0x129: {  	v3 =	vld.idx.msk [tilespmem:v10+s16+$0x0], $0xffff;
	[tilespmem:s29+$0xFFFFFFD0] =	vst v62  }
0x12a: {  	[tilespmem:s29+$0xFFFFFFE0] =	vst v63  }
.Ltmp15:
0x12b: {  	[tilespmem:s29+$0x0] =	vst v8;
	(pc) =	sbr.rel @p1 .LBB2_24-.Ltmp15, $4  }
0x12c: {  	[tilespmem:s29+$0x10] =	vst v4  }
0x12d: {  	[tilespmem:s29+$0x30] =	vst v2  }
0x12e: {  	s30 =	sadd.s32 $0x3000, s23;
	s31 =	simm.s32 $0xB000;
	[tilespmem:s29+$0xFFFFFFF0] =	vst v3  }
0x12f: {  	[hbm4b:s30+s17] =	stream.strided.scatter [tilespmem:s31], [sflag:$0xC], $0x1000, s13, s17, $0x38;
	[tilespmem:$0x10000] =	vst v63  }
.Ltmp16:
0x130: {  	(pc) =	sbr.rel .LBB2_25-.Ltmp16, $4  }
0x131: {  	s0 =	simm.s32 $0x5  }
0x132: {  	_ =	swait.ge [sflag:s0], $0x1000  }
0x133: {  	[sflag:s0] =	ssyncset.done $0x0  }
0x134: {  	[sflag:s0] =	ssyncadd.s32 $0xFFFFF000  }
.LBB2_24:
0x135: {  	s0 =	sadd.s32 $0xB, s9  }
0x136: {  	s1 =	sshrl.u32 s0, $0x1  }
0x137: {  	s0 =	sxor.u32 s0, s1  }
0x138: {  	s0 =	sshll.u32 s0, $0xC  }
0x139: {  	s0 =	sand.u32 $0x1FFFE000, s0  }
.Ltmp17:
0x13a: {  	s31 =	simm.s32 $0x5;
	s0 =	sadd.s32 s3, s0;
	(pc) =	sbr.rel @p0 .LBB2_26-.Ltmp17, $4  }
0x13b: {  	[tilespmem:s16], [sflag:$0x4] =	stream.strided.gather [hbm4b:s0+s17], $0x1000, s13, s17, $0x38;
	[tilespmem:$0x10000] =	vst v63  }
0x13c: {  	_ =	swait.ge [sflag:s31], $0x1000  }
0x13d: {  	[sflag:s31] =	ssyncset.done $0x0  }
0x13e: {  	[sflag:s31] =	ssyncadd.s32 $0xFFFFF000  }
.LBB2_25:
0x13f: {  	s0 =	simm.s32 $0xD  }
0x140: {  	_ =	swait.ge [sflag:s0], $0x1000  }
0x141: {  	[sflag:s0] =	ssyncset.done $0x0  }
0x142: {  	[sflag:s0] =	ssyncadd.s32 $0xFFFFF000  }
.LBB2_26:
0x143: {  	s0 =	simm.s32 $0x38  }
0x144: {  	s1 =	simm.s32 $0x70;
	s4 =	simm.s32 $0x30;
	s5 =	simm.s32 $0x18  }
0x145: {  	s4 =	sxor.u32 s5, s4;
	s1 =	sxor.u32 s0, s1  }
0x146: {  	v2 =	vmov s4;
	v3 =	vxor.u32 s4, v0;
	v4 =	vmov s1  }
0x147: {  	s24 =	simm.s32 $0x10;
	s7 =	simm.s32 $0x8;
	v5 =	vxor.u32 s1, v0;
	v2 =	vand.u32 $0xF80, v2;
	v3 =	vand.u32 $0x6F, v3  }
0x148: {  	s31 =	simm.s32 $0x0;
	s22 =	simm.s32 $0x0;
	s4 =	sxor.u32 s7, s24;
	v2 =	vor.u32 v2, v3;
	v3 =	vand.u32 $0xF80, v4;
	v4 =	vand.u32 $0x4F, v5  }
0x149: {  	s8 =	simm.s32 $0x20;
	s5 =	sxor.u32 s31, s22;
	v3 =	vor.u32 v3, v4;
	v4 =	vxor.u32 s4, v0  }
0x14a: {  	s25 =	simm.s32 $0x10;
	s10 =	simm.s32 $0x40;
	s11 =	simm.s32 $0x20;
	v5 =	vor.u32 s5, v0  }
0x14b: {  	s12 =	simm.s32 $0x50;
	s26 =	simm.s32 $0x28;
	s28 =	simm.s32 $0x30  }
0x14c: {  	s30 =	sxor.u32 s11, s10;
	s31 =	sxor.u32 s26, s12;
	s10 =	simm.s32 $0xB0  }
0x14d: {  	s11 =	simm.s32 $0x58;
	s12 =	simm.s32 $0x78;
	s1 =	sxor.u32 s25, s8;
	v7 =	vor.u32 s30, v0;
	v2 =	vld.idx.msk [tilespmem:v2+s18+$0x0], $0xffff  }
0x14e: {  	s22 =	simm.s32 $0xF0;
	s24 =	simm.s32 $0x60;
	v6 =	vor.u32 s1, v0;
	s5 =	sxor.u32 s11, s10;
	v13 =	vld.idx.msk [tilespmem:v4+s18+$0x0], $0xffff  }
0x14f: {  	s0 =	simm.s32 $0xC040;
	v8 =	vxor.u32 s31, v0;
	s26 =	sxor.u32 s12, s22;
	s25 =	sxor.u32 s28, s24;
	v9 =	vmov s5;
	v10 =	vxor.u32 s5, v0;
	v14 =	vld.idx.msk [tilespmem:v5+s18+$0x0], $0xffff  }
0x150: {  	s8 =	simm.s32 $0x48;
	s12 =	simm.s32 $0xC0;
	s22 =	simm.s32 $0x60;
	v12 =	vor.u32 s25, v0;
	v3 =	vld.idx.msk [tilespmem:v3+s18+$0x0], $0xffff;
	v4 =	vand.u32 $0xF80, v9;
	v9 =	vand.u32 $0x6F, v10  }
0x151: {  	s30 =	simm.s32 $0x68;
	s31 =	simm.s32 $0x80;
	s28 =	simm.s32 $0x40;
	v5 =	vxor.u32 s26, v0;
	v9 =	vor.u32 v4, v9;
	v4 =	vmov s26  }
0x152: {  	s24 =	simm.s32 $0xD0;
	s10 =	simm.s32 $0xA0;
	s5 =	simm.s32 $0x90;
	v7 =	vld.idx.msk [tilespmem:v7+s18+$0x0], $0xffff;
	v5 =	vand.u32 $0x4F, v5;
	[tilespmem:s0+$0xFFFFFFF0] =	vst v2;
	v2 =	vand.u32 $0xF80, v4  }
0x153: {  	s11 =	simm.s32 $0x50;
	s25 =	simm.s32 $0xE0;
	s1 =	sxor.u32 s8, s5;
	v6 =	vld.idx.msk [tilespmem:v6+s18+$0x0], $0xffff;
	[tilespmem:s0+$0xFFFFFFD0] =	vst v13;
	v13 =	vor.u32 v2, v5  }
0x154: {  	s4 =	sxor.u32 s28, s31;
	s28 =	sxor.u32 s22, s12;
	v8 =	vld.idx.msk [tilespmem:v8+s18+$0x0], $0xffff;
	v11 =	vxor.u32 s1, v0;
	s26 =	simm.s32 $0x70;
	[tilespmem:s0+$0xFFFFFFC0] =	vst v14  }
0x155: {  	s30 =	sxor.u32 s30, s24;
	s10 =	sxor.u32 s11, s10;
	v10 =	vld.idx.msk [tilespmem:v12+s18+$0x0], $0xffff;
	v12 =	vor.u32 s4, v0;
	s31 =	sxor.u32 s26, s25;
	v4 =	vor.u32 s28, v0;
	[tilespmem:s0+$0x30] =	vst v3  }
0x156: {  	s29 =	simm.s32 $0x170;
	s11 =	simm.s32 $0x8;
	s25 =	simm.s32 $0xB8;
	v3 =	vor.u32 s10, v0;
	v5 =	vxor.u32 s30, v0;
	v2 =	vor.u32 s31, v0;
	v9 =	vld.idx.msk [tilespmem:v9+s18+$0x0], $0xffff  }
.LBB2_27:
0x157: {  	s1 =	sadd.s32 $0xFFFFFFC0, s29  }
0x158: {  	s4 =	sadd.s32 $0xFFFFFFE0, s25;
	s11 =	sadd.s32 $0x8, s11;
	v14 =	vld.idx.msk [tilespmem:v13+s18+$0x0], $0xffff;
	[tilespmem:s0+$0xFFFFFFE0] =	vst v6;
	s5 =	sadd.s32 $0xFFFFFFC8, s25  }
0x159: {  	s1 =	sxor.u32 s4, s1;
	s4 =	sxor.u32 s25, s29;
	p2 =	slt.u32 s11, $0xF8;
	[tilespmem:s0+$0x0] =	vst v7  }
0x15a: {  	s7 =	sadd.s32 $0xFFFFFFA0, s29;
	s8 =	sadd.s32 $0xFFFFFFD0, s25;
	s10 =	sadd.s32 $0xFFFFFFD8, s25;
	v6 =	vmov s1;
	v7 =	vxor.u32 s1, v0;
	v13 =	vmov s4;
	v15 =	vld.idx.msk [tilespmem:v11+s18+$0x0], $0xffff;
	[tilespmem:s0+$0x10] =	vst v8  }
0x15b: {  	s12 =	sadd.s32 $0xFFFFFFD0, s29;
	s22 =	sadd.s32 $0xFFFFFFE0, s29;
	s1 =	sadd.s32 $0xFFFFFFB0, s29;
	v8 =	vxor.u32 s4, v0;
	v6 =	vand.u32 $0xF80, v6;
	v7 =	vand.u32 $0x6F, v7;
	v16 =	vld.idx.msk [tilespmem:v12+s18+$0x0], $0xffff;
	[tilespmem:s0+$0x20] =	vst v10  }
0x15c: {  	s24 =	sadd.s32 $0xFFFFFFF0, s25;
	s4 =	sadd.s32 $0xFFFFFFE8, s25;
	v8 =	vand.u32 $0x4F, v8;
	s0 =	sadd.s32 $0x80, s0;
	v17 =	vor.u32 v6, v7;
	v7 =	vand.u32 $0xF80, v13;
	v6 =	vld.idx.msk [tilespmem:v3+s18+$0x0], $0xffff  }
.Ltmp18:
0x15d: {  	s26 =	sadd.s32 $0xFFFFFFF0, s29;
	s28 =	sadd.s32 $0xFFFFFFF8, s25;
	v13 =	vor.u32 v7, v8;
	[tilespmem:s0+$0xFFFFFFF0] =	vst v9;
	v7 =	vld.idx.msk [tilespmem:v4+s18+$0x0], $0xffff;
	(pc) =	sbr.rel @p2 .LBB2_27-.Ltmp18, $4  }
0x15e: {  	s30 =	sadd.s32 $0xFFFFFF90, s29;
	s7 =	sxor.u32 s8, s7;
	s1 =	sxor.u32 s10, s1;
	v8 =	vld.idx.msk [tilespmem:v5+s18+$0x0], $0xffff;
	[tilespmem:s0+$0x30] =	vst v14  }
0x15f: {  	s5 =	sxor.u32 s5, s30;
	v11 =	vxor.u32 s7, v0;
	v3 =	vor.u32 s1, v0;
	s1 =	sxor.u32 s4, s12;
	s4 =	sxor.u32 s24, s22;
	v10 =	vld.idx.msk [tilespmem:v2+s18+$0x0], $0xffff  }
0x160: {  	v12 =	vor.u32 s5, v0;
	v4 =	vor.u32 s1, v0;
	s1 =	sxor.u32 s28, s26;
	v5 =	vxor.u32 s4, v0;
	[tilespmem:s0+$0xFFFFFFD0] =	vst v15  }
0x161: {  	s25 =	sadd.s32 $0x40, s25;
	s29 =	sadd.s32 $0x80, s29;
	v2 =	vor.u32 s1, v0;
	v9 =	vld.idx.msk [tilespmem:v17+s18+$0x0], $0xffff;
	[tilespmem:s0+$0xFFFFFFC0] =	vst v16  }
0x162: {  	_ =	sdelay $0x3  }
0x163: {  	v13 =	vld.idx.msk [tilespmem:v13+s18+$0x0], $0xffff;
	[tilespmem:s0+$0xFFFFFFE0] =	vst v6  }
0x164: {  	[tilespmem:s0+$0x0] =	vst v7;
	v62 =	vld.idx.msk [tilespmem:v11+s18+$0x0], $0xffff  }
0x165: {  	v63 =	vld.idx.msk [tilespmem:v12+s18+$0x0], $0xffff;
	[tilespmem:s0+$0x10] =	vst v8  }
0x166: {  	v3 =	vld.idx.msk [tilespmem:v3+s18+$0x0], $0xffff;
	s30 =	sadd.s32 $0x80, s0;
	[tilespmem:s0+$0x20] =	vst v10  }
0x167: {  	v4 =	vld.idx.msk [tilespmem:v4+s18+$0x0], $0xffff;
	[tilespmem:s30+$0xFFFFFFF0] =	vst v9  }
0x168: {  	v5 =	vld.idx.msk [tilespmem:v5+s18+$0x0], $0xffff;
	[tilespmem:s30+$0x30] =	vst v13  }
0x169: {  	v2 =	vld.idx.msk [tilespmem:v2+s18+$0x0], $0xffff;
	[tilespmem:s30+$0xFFFFFFD0] =	vst v62  }
0x16a: {  	[tilespmem:s30+$0xFFFFFFC0] =	vst v63  }
.Ltmp19:
0x16b: {  	[tilespmem:s30+$0xFFFFFFE0] =	vst v3;
	(pc) =	sbr.rel @p1 .LBB2_30-.Ltmp19, $4  }
0x16c: {  	[tilespmem:s30+$0x0] =	vst v4  }
0x16d: {  	[tilespmem:s30+$0x10] =	vst v5  }
0x16e: {  	s31 =	sadd.s32 $0x4000, s23;
	s1 =	simm.s32 $0xC000;
	[tilespmem:s30+$0x20] =	vst v2  }
0x16f: {  	[hbm4b:s31+s17] =	stream.strided.scatter [tilespmem:s1], [sflag:$0xD], $0x1000, s13, s17, $0x38;
	[tilespmem:$0x10000] =	vst v63  }
.Ltmp20:
0x170: {  	(pc) =	sbr.rel .LBB2_31-.Ltmp20, $4  }
0x171: {  	s0 =	simm.s32 $0x6  }
0x172: {  	_ =	swait.ge [sflag:s0], $0x1000  }
0x173: {  	[sflag:s0] =	ssyncset.done $0x0  }
0x174: {  	[sflag:s0] =	ssyncadd.s32 $0xFFFFF000  }
.LBB2_30:
0x175: {  	s0 =	sadd.s32 $0xC, s9  }
0x176: {  	s1 =	sshrl.u32 s0, $0x1  }
0x177: {  	s0 =	sxor.u32 s0, s1  }
0x178: {  	s0 =	sshll.u32 s0, $0xC  }
0x179: {  	s0 =	sand.u32 $0x1FFFE000, s0  }
.Ltmp21:
0x17a: {  	s31 =	simm.s32 $0x6;
	s0 =	sadd.s32 s3, s0;
	(pc) =	sbr.rel @p0 .LBB2_32-.Ltmp21, $4  }
0x17b: {  	[tilespmem:s18], [sflag:$0x5] =	stream.strided.gather [hbm4b:s0+s17], $0x1000, s13, s17, $0x38;
	[tilespmem:$0x10000] =	vst v63  }
0x17c: {  	_ =	swait.ge [sflag:s31], $0x1000  }
0x17d: {  	[sflag:s31] =	ssyncset.done $0x0  }
0x17e: {  	[sflag:s31] =	ssyncadd.s32 $0xFFFFF000  }
.LBB2_31:
0x17f: {  	s0 =	simm.s32 $0xE  }
0x180: {  	_ =	swait.ge [sflag:s0], $0x1000  }
0x181: {  	[sflag:s0] =	ssyncset.done $0x0  }
0x182: {  	[sflag:s0] =	ssyncadd.s32 $0xFFFFF000  }
.LBB2_32:
0x183: {  	s1 =	simm.s32 $0x38;
	s4 =	simm.s32 $0x70  }
0x184: {  	s0 =	simm.s32 $0xD040;
	s5 =	simm.s32 $0x60;
	s7 =	simm.s32 $0x30  }
0x185: {  	s8 =	simm.s32 $0x0;
	s28 =	simm.s32 $0x10;
	s10 =	simm.s32 $0x8  }
0x186: {  	s11 =	simm.s32 $0x20;
	s12 =	simm.s32 $0x0;
	s5 =	sxor.u32 s7, s5  }
0x187: {  	s30 =	simm.s32 $0x10;
	s22 =	simm.s32 $0x30;
	s8 =	sxor.u32 s8, s12;
	v2 =	vxor.u32 s5, v1  }
0x188: {  	s31 =	simm.s32 $0x18;
	s24 =	simm.s32 $0x40;
	s7 =	sxor.u32 s10, s28;
	v3 =	vxor.u32 s8, v1  }
0x189: {  	s25 =	simm.s32 $0x50;
	s26 =	simm.s32 $0x28;
	s28 =	sxor.u32 s31, s22;
	v4 =	vxor.u32 s7, v1  }
0x18a: {  	s29 =	simm.s32 $0x68;
	s10 =	simm.s32 $0x20;
	s5 =	sxor.u32 s30, s11;
	v7 =	vxor.u32 s28, v1  }
0x18b: {  	s31 =	simm.s32 $0x70;
	s1 =	sxor.u32 s1, s4;
	s8 =	sxor.u32 s10, s24;
	v6 =	vxor.u32 s5, v1  }
0x18c: {  	s4 =	simm.s32 $0x78;
	s7 =	sxor.u32 s26, s25;
	s30 =	simm.s32 $0xE0;
	v8 =	vxor.u32 s8, v1;
	v2 =	vld.idx.msk [tilespmem:v2+s19+$0x0], $0xffff  }
0x18d: {  	s12 =	simm.s32 $0xA0;
	s22 =	simm.s32 $0x50;
	s5 =	sxor.u32 s31, s30;
	v12 =	vxor.u32 s7, v1;
	v14 =	vld.idx.msk [tilespmem:v3+s19+$0x0], $0xffff  }
0x18e: {  	s10 =	simm.s32 $0x40;
	s11 =	simm.s32 $0x90;
	s24 =	simm.s32 $0xB0;
	v9 =	vxor.u32 s5, v1;
	v5 =	vld.idx.msk [tilespmem:v4+s19+$0x0], $0xffff  }
0x18f: {  	v16 =	vxor.u32 s1, v1;
	s25 =	simm.s32 $0x60;
	s26 =	simm.s32 $0x80;
	s28 =	simm.s32 $0xD0;
	v7 =	vld.idx.msk [tilespmem:v7+s19+$0x0], $0xffff  }
0x190: {  	s7 =	simm.s32 $0x48;
	s30 =	simm.s32 $0x58;
	s31 =	simm.s32 $0xC0;
	v6 =	vld.idx.msk [tilespmem:v6+s19+$0x0], $0xffff  }
0x191: {  	s10 =	sxor.u32 s10, s26;
	s5 =	sxor.u32 s7, s11;
	s1 =	sxor.u32 s30, s24;
	v3 =	vld.idx.msk [tilespmem:v8+s19+$0x0], $0xffff  }
0x192: {  	s8 =	simm.s32 $0xF0;
	v15 =	vxor.u32 s10, v1;
	s26 =	sxor.u32 s25, s31;
	s30 =	sxor.u32 s29, s28;
	v11 =	vxor.u32 s5, v1;
	v10 =	vxor.u32 s1, v1;
	v12 =	vld.idx.msk [tilespmem:v12+s19+$0x0], $0xffff  }
0x193: {  	s7 =	sxor.u32 s22, s12;
	s11 =	simm.s32 $0x8;
	s31 =	sxor.u32 s4, s8;
	v4 =	vxor.u32 s30, v1;
	v8 =	vxor.u32 s26, v1;
	v13 =	vld.idx.msk [tilespmem:v9+s19+$0x0], $0xffff;
	[tilespmem:s0+$0x20] =	vst v2  }
0x194: {  	s25 =	simm.s32 $0xB8;
	s29 =	simm.s32 $0x170;
	s1 =	simm.s32 $0xD040;
	v9 =	vxor.u32 s7, v1;
	v2 =	vxor.u32 s31, v1;
	[tilespmem:s0+$0xFFFFFFC0] =	vst v14;
	v14 =	vld.idx.msk [tilespmem:v16+s19+$0x0], $0xffff  }
.LBB2_33:
0x195: {  	s4 =	sadd.s32 $0xFFFFFFF0, s29  }
0x196: {  	s5 =	sadd.s32 $0xFFFFFFF8, s25;
	s11 =	sadd.s32 $0x8, s11;
	[tilespmem:s0+$0xFFFFFFD0] =	vst v5;
	s7 =	sadd.s32 $0xFFFFFFC8, s25  }
0x197: {  	s8 =	sadd.s32 $0xFFFFFFD0, s25;
	s4 =	sxor.u32 s5, s4;
	p2 =	slt.u32 s11, $0xF8;
	[tilespmem:s0+$0xFFFFFFE0] =	vst v6  }
0x198: {  	s10 =	sadd.s32 $0xFFFFFFD8, s25;
	s5 =	sadd.s32 $0xFFFFFFA0, s29;
	s0 =	sadd.s32 $0x80, s0;
	v16 =	vxor.u32 s4, v1;
	v17 =	vld.idx.msk [tilespmem:v15+s19+$0x0], $0xffff;
	[tilespmem:s1+$0xFFFFFFF0] =	vst v7  }
0x199: {  	s12 =	sadd.s32 $0xFFFFFFC0, s29;
	s22 =	sadd.s32 $0xFFFFFFE0, s25;
	s4 =	sadd.s32 $0xFFFFFFB0, s29;
	v5 =	vld.idx.msk [tilespmem:v11+s19+$0x0], $0xffff;
	[tilespmem:s0+$0x20] =	vst v13  }
0x19a: {  	s24 =	sadd.s32 $0xFFFFFFD0, s29;
	s26 =	sadd.s32 $0xFFFFFFE8, s25;
	s28 =	sadd.s32 $0xFFFFFF90, s29;
	v6 =	vld.idx.msk [tilespmem:v9+s19+$0x0], $0xffff;
	[tilespmem:s1+$0x0] =	vst v3  }
.Ltmp22:
0x19b: {  	s30 =	sadd.s32 $0xFFFFFFE0, s29;
	s31 =	sadd.s32 $0xFFFFFFF0, s25;
	v7 =	vld.idx.msk [tilespmem:v10+s19+$0x0], $0xffff;
	[tilespmem:s1+$0x10] =	vst v12;
	(pc) =	sbr.rel @p2 .LBB2_33-.Ltmp22, $4  }
0x19c: {  	s7 =	sxor.u32 s7, s28;
	s5 =	sxor.u32 s8, s5;
	s4 =	sxor.u32 s10, s4;
	v3 =	vld.idx.msk [tilespmem:v8+s19+$0x0], $0xffff;
	[tilespmem:s1+$0x30] =	vst v14  }
0x19d: {  	v15 =	vxor.u32 s7, v1;
	v11 =	vxor.u32 s5, v1;
	s5 =	sxor.u32 s31, s30;
	v9 =	vxor.u32 s4, v1;
	s4 =	sxor.u32 s26, s24;
	s1 =	sxor.u32 s22, s12;
	v13 =	vld.idx.msk [tilespmem:v16+s19+$0x0], $0xffff  }
0x19e: {  	v8 =	vxor.u32 s4, v1;
	s4 =	sxor.u32 s25, s29;
	v10 =	vxor.u32 s1, v1;
	s1 =	smov.u32 s0;
	v12 =	vld.idx.msk [tilespmem:v4+s19+$0x0], $0xffff;
	v4 =	vxor.u32 s5, v1  }
0x19f: {  	s25 =	sadd.s32 $0x40, s25;
	s29 =	sadd.s32 $0x80, s29;
	[tilespmem:s0+$0xFFFFFFC0] =	vst v17;
	v14 =	vld.idx.msk [tilespmem:v2+s19+$0x0], $0xffff;
	v2 =	vxor.u32 s4, v1  }
0x1a0: {  	_ =	sdelay $0x1  }
0x1a1: {  	[tilespmem:s0+$0xFFFFFFD0] =	vst v5  }
0x1a2: {  	[tilespmem:s0+$0xFFFFFFE0] =	vst v6  }
0x1a3: {  	v61 =	vld.idx.msk [tilespmem:v15+s19+$0x0], $0xffff;
	[tilespmem:s1+$0xFFFFFFF0] =	vst v7  }
0x1a4: {  	s29 =	sadd.s32 $0x80, s0;
	v62 =	vld.idx.msk [tilespmem:v11+s19+$0x0], $0xffff;
	[tilespmem:s1+$0x0] =	vst v3  }
0x1a5: {  	v63 =	vld.idx.msk [tilespmem:v9+s19+$0x0], $0xffff;
	[tilespmem:s29+$0x20] =	vst v13  }
0x1a6: {  	v8 =	vld.idx.msk [tilespmem:v8+s19+$0x0], $0xffff;
	[tilespmem:s1+$0x10] =	vst v12  }
0x1a7: {  	v4 =	vld.idx.msk [tilespmem:v4+s19+$0x0], $0xffff;
	[tilespmem:s1+$0x30] =	vst v14  }
0x1a8: {  	v2 =	vld.idx.msk [tilespmem:v2+s19+$0x0], $0xffff;
	[tilespmem:s29+$0xFFFFFFC0] =	vst v61  }
0x1a9: {  	v3 =	vld.idx.msk [tilespmem:v10+s19+$0x0], $0xffff;
	[tilespmem:s29+$0xFFFFFFD0] =	vst v62  }
0x1aa: {  	[tilespmem:s29+$0xFFFFFFE0] =	vst v63  }
.Ltmp23:
0x1ab: {  	[tilespmem:s29+$0x0] =	vst v8;
	(pc) =	sbr.rel @p1 .LBB2_36-.Ltmp23, $4  }
0x1ac: {  	[tilespmem:s29+$0x10] =	vst v4  }
0x1ad: {  	[tilespmem:s29+$0x30] =	vst v2  }
0x1ae: {  	s30 =	sadd.s32 $0x5000, s23;
	s31 =	simm.s32 $0xD000;
	[tilespmem:s29+$0xFFFFFFF0] =	vst v3  }
0x1af: {  	[hbm4b:s30+s17] =	stream.strided.scatter [tilespmem:s31], [sflag:$0xE], $0x1000, s13, s17, $0x38;
	[tilespmem:$0x10000] =	vst v63  }
.Ltmp24:
0x1b0: {  	(pc) =	sbr.rel .LBB2_37-.Ltmp24, $4  }
0x1b1: {  	s0 =	simm.s32 $0x7  }
0x1b2: {  	_ =	swait.ge [sflag:s0], $0x1000  }
0x1b3: {  	[sflag:s0] =	ssyncset.done $0x0  }
0x1b4: {  	[sflag:s0] =	ssyncadd.s32 $0xFFFFF000  }
.LBB2_36:
0x1b5: {  	s0 =	sadd.s32 $0xD, s9  }
0x1b6: {  	s1 =	sshrl.u32 s0, $0x1  }
0x1b7: {  	s0 =	sxor.u32 s0, s1  }
0x1b8: {  	s0 =	sshll.u32 s0, $0xC  }
0x1b9: {  	s0 =	sand.u32 $0x1FFFF000, s0  }
.Ltmp25:
0x1ba: {  	s31 =	simm.s32 $0x7;
	s0 =	sadd.s32 s3, s0;
	(pc) =	sbr.rel @p0 .LBB2_38-.Ltmp25, $4  }
0x1bb: {  	[tilespmem:s19], [sflag:$0x6] =	stream.strided.gather [hbm4b:s0+s17], $0x1000, s13, s17, $0x38;
	[tilespmem:$0x10000] =	vst v63  }
0x1bc: {  	_ =	swait.ge [sflag:s31], $0x1000  }
0x1bd: {  	[sflag:s31] =	ssyncset.done $0x0  }
0x1be: {  	[sflag:s31] =	ssyncadd.s32 $0xFFFFF000  }
.LBB2_37:
0x1bf: {  	s0 =	simm.s32 $0xF  }
0x1c0: {  	_ =	swait.ge [sflag:s0], $0x1000  }
0x1c1: {  	[sflag:s0] =	ssyncset.done $0x0  }
0x1c2: {  	[sflag:s0] =	ssyncadd.s32 $0xFFFFF000  }
.LBB2_38:
0x1c3: {  	s0 =	simm.s32 $0x38  }
0x1c4: {  	s1 =	simm.s32 $0x70;
	s4 =	simm.s32 $0x30;
	s5 =	simm.s32 $0x18  }
0x1c5: {  	s4 =	sxor.u32 s5, s4;
	s1 =	sxor.u32 s0, s1  }
0x1c6: {  	v2 =	vmov s4;
	v3 =	vxor.u32 s4, v0;
	v4 =	vmov s1  }
0x1c7: {  	s24 =	simm.s32 $0x10;
	s7 =	simm.s32 $0x8;
	v5 =	vxor.u32 s1, v0;
	v2 =	vand.u32 $0xF80, v2;
	v3 =	vand.u32 $0x6F, v3  }
0x1c8: {  	s31 =	simm.s32 $0x0;
	s22 =	simm.s32 $0x0;
	s4 =	sxor.u32 s7, s24;
	v2 =	vor.u32 v2, v3;
	v3 =	vand.u32 $0xF80, v4;
	v4 =	vand.u32 $0x4F, v5  }
0x1c9: {  	s8 =	simm.s32 $0x20;
	s5 =	sxor.u32 s31, s22;
	v3 =	vor.u32 v3, v4;
	v4 =	vxor.u32 s4, v0  }
0x1ca: {  	s25 =	simm.s32 $0x10;
	s10 =	simm.s32 $0x40;
	s11 =	simm.s32 $0x20;
	v5 =	vor.u32 s5, v0  }
0x1cb: {  	s12 =	simm.s32 $0x50;
	s26 =	simm.s32 $0x28;
	s28 =	simm.s32 $0x30  }
0x1cc: {  	s30 =	sxor.u32 s11, s10;
	s31 =	sxor.u32 s26, s12;
	s10 =	simm.s32 $0xB0  }
0x1cd: {  	s11 =	simm.s32 $0x58;
	s12 =	simm.s32 $0x78;
	s1 =	sxor.u32 s25, s8;
	v7 =	vor.u32 s30, v0;
	v2 =	vld.idx.msk [tilespmem:v2+s20+$0x0], $0xffff  }
0x1ce: {  	s22 =	simm.s32 $0xF0;
	s24 =	simm.s32 $0x60;
	v6 =	vor.u32 s1, v0;
	s5 =	sxor.u32 s11, s10;
	v13 =	vld.idx.msk [tilespmem:v4+s20+$0x0], $0xffff  }
0x1cf: {  	s0 =	simm.s32 $0xE040;
	v8 =	vxor.u32 s31, v0;
	s26 =	sxor.u32 s12, s22;
	s25 =	sxor.u32 s28, s24;
	v9 =	vmov s5;
	v10 =	vxor.u32 s5, v0;
	v14 =	vld.idx.msk [tilespmem:v5+s20+$0x0], $0xffff  }
0x1d0: {  	s8 =	simm.s32 $0x48;
	s12 =	simm.s32 $0xC0;
	s22 =	simm.s32 $0x60;
	v12 =	vor.u32 s25, v0;
	v3 =	vld.idx.msk [tilespmem:v3+s20+$0x0], $0xffff;
	v4 =	vand.u32 $0xF80, v9;
	v9 =	vand.u32 $0x6F, v10  }
0x1d1: {  	s30 =	simm.s32 $0x68;
	s31 =	simm.s32 $0x80;
	s28 =	simm.s32 $0x40;
	v5 =	vxor.u32 s26, v0;
	v9 =	vor.u32 v4, v9;
	v4 =	vmov s26  }
0x1d2: {  	s24 =	simm.s32 $0xD0;
	s10 =	simm.s32 $0xA0;
	s5 =	simm.s32 $0x90;
	v7 =	vld.idx.msk [tilespmem:v7+s20+$0x0], $0xffff;
	v5 =	vand.u32 $0x4F, v5;
	[tilespmem:s0+$0xFFFFFFF0] =	vst v2;
	v2 =	vand.u32 $0xF80, v4  }
0x1d3: {  	s11 =	simm.s32 $0x50;
	s25 =	simm.s32 $0xE0;
	s1 =	sxor.u32 s8, s5;
	v6 =	vld.idx.msk [tilespmem:v6+s20+$0x0], $0xffff;
	[tilespmem:s0+$0xFFFFFFD0] =	vst v13;
	v13 =	vor.u32 v2, v5  }
0x1d4: {  	s4 =	sxor.u32 s28, s31;
	s28 =	sxor.u32 s22, s12;
	v8 =	vld.idx.msk [tilespmem:v8+s20+$0x0], $0xffff;
	v11 =	vxor.u32 s1, v0;
	s26 =	simm.s32 $0x70;
	[tilespmem:s0+$0xFFFFFFC0] =	vst v14  }
0x1d5: {  	s30 =	sxor.u32 s30, s24;
	s10 =	sxor.u32 s11, s10;
	v10 =	vld.idx.msk [tilespmem:v12+s20+$0x0], $0xffff;
	v12 =	vor.u32 s4, v0;
	s31 =	sxor.u32 s26, s25;
	v4 =	vor.u32 s28, v0;
	[tilespmem:s0+$0x30] =	vst v3  }
0x1d6: {  	s29 =	simm.s32 $0x170;
	s11 =	simm.s32 $0x8;
	s25 =	simm.s32 $0xB8;
	v3 =	vor.u32 s10, v0;
	v5 =	vxor.u32 s30, v0;
	v2 =	vor.u32 s31, v0;
	v9 =	vld.idx.msk [tilespmem:v9+s20+$0x0], $0xffff  }
.LBB2_39:
0x1d7: {  	s1 =	sadd.s32 $0xFFFFFFC0, s29  }
0x1d8: {  	s4 =	sadd.s32 $0xFFFFFFE0, s25;
	s11 =	sadd.s32 $0x8, s11;
	v14 =	vld.idx.msk [tilespmem:v13+s20+$0x0], $0xffff;
	[tilespmem:s0+$0xFFFFFFE0] =	vst v6;
	s5 =	sadd.s32 $0xFFFFFFC8, s25  }
0x1d9: {  	s1 =	sxor.u32 s4, s1;
	s4 =	sxor.u32 s25, s29;
	p2 =	slt.u32 s11, $0xF8;
	[tilespmem:s0+$0x0] =	vst v7  }
0x1da: {  	s7 =	sadd.s32 $0xFFFFFFA0, s29;
	s8 =	sadd.s32 $0xFFFFFFD0, s25;
	s10 =	sadd.s32 $0xFFFFFFD8, s25;
	v6 =	vmov s1;
	v7 =	vxor.u32 s1, v0;
	v13 =	vmov s4;
	v15 =	vld.idx.msk [tilespmem:v11+s20+$0x0], $0xffff;
	[tilespmem:s0+$0x10] =	vst v8  }
0x1db: {  	s12 =	sadd.s32 $0xFFFFFFD0, s29;
	s22 =	sadd.s32 $0xFFFFFFE0, s29;
	s1 =	sadd.s32 $0xFFFFFFB0, s29;
	v8 =	vxor.u32 s4, v0;
	v6 =	vand.u32 $0xF80, v6;
	v7 =	vand.u32 $0x6F, v7;
	v16 =	vld.idx.msk [tilespmem:v12+s20+$0x0], $0xffff;
	[tilespmem:s0+$0x20] =	vst v10  }
0x1dc: {  	s24 =	sadd.s32 $0xFFFFFFF0, s25;
	s4 =	sadd.s32 $0xFFFFFFE8, s25;
	v8 =	vand.u32 $0x4F, v8;
	s0 =	sadd.s32 $0x80, s0;
	v17 =	vor.u32 v6, v7;
	v7 =	vand.u32 $0xF80, v13;
	v6 =	vld.idx.msk [tilespmem:v3+s20+$0x0], $0xffff  }
.Ltmp26:
0x1dd: {  	s26 =	sadd.s32 $0xFFFFFFF0, s29;
	s28 =	sadd.s32 $0xFFFFFFF8, s25;
	v13 =	vor.u32 v7, v8;
	[tilespmem:s0+$0xFFFFFFF0] =	vst v9;
	v7 =	vld.idx.msk [tilespmem:v4+s20+$0x0], $0xffff;
	(pc) =	sbr.rel @p2 .LBB2_39-.Ltmp26, $4  }
0x1de: {  	s30 =	sadd.s32 $0xFFFFFF90, s29;
	s7 =	sxor.u32 s8, s7;
	s1 =	sxor.u32 s10, s1;
	v8 =	vld.idx.msk [tilespmem:v5+s20+$0x0], $0xffff;
	[tilespmem:s0+$0x30] =	vst v14  }
0x1df: {  	s5 =	sxor.u32 s5, s30;
	v11 =	vxor.u32 s7, v0;
	v3 =	vor.u32 s1, v0;
	s1 =	sxor.u32 s4, s12;
	s4 =	sxor.u32 s24, s22;
	v10 =	vld.idx.msk [tilespmem:v2+s20+$0x0], $0xffff  }
0x1e0: {  	v12 =	vor.u32 s5, v0;
	v4 =	vor.u32 s1, v0;
	s1 =	sxor.u32 s28, s26;
	v5 =	vxor.u32 s4, v0;
	[tilespmem:s0+$0xFFFFFFD0] =	vst v15  }
0x1e1: {  	s25 =	sadd.s32 $0x40, s25;
	s29 =	sadd.s32 $0x80, s29;
	v2 =	vor.u32 s1, v0;
	v9 =	vld.idx.msk [tilespmem:v17+s20+$0x0], $0xffff;
	[tilespmem:s0+$0xFFFFFFC0] =	vst v16  }
0x1e2: {  	_ =	sdelay $0x3  }
0x1e3: {  	v13 =	vld.idx.msk [tilespmem:v13+s20+$0x0], $0xffff;
	[tilespmem:s0+$0xFFFFFFE0] =	vst v6  }
0x1e4: {  	[tilespmem:s0+$0x0] =	vst v7;
	v62 =	vld.idx.msk [tilespmem:v11+s20+$0x0], $0xffff  }
0x1e5: {  	v63 =	vld.idx.msk [tilespmem:v12+s20+$0x0], $0xffff;
	[tilespmem:s0+$0x10] =	vst v8  }
0x1e6: {  	v3 =	vld.idx.msk [tilespmem:v3+s20+$0x0], $0xffff;
	s30 =	sadd.s32 $0x80, s0;
	[tilespmem:s0+$0x20] =	vst v10  }
0x1e7: {  	v4 =	vld.idx.msk [tilespmem:v4+s20+$0x0], $0xffff;
	[tilespmem:s30+$0xFFFFFFF0] =	vst v9  }
0x1e8: {  	v5 =	vld.idx.msk [tilespmem:v5+s20+$0x0], $0xffff;
	[tilespmem:s30+$0x30] =	vst v13  }
0x1e9: {  	v2 =	vld.idx.msk [tilespmem:v2+s20+$0x0], $0xffff;
	[tilespmem:s30+$0xFFFFFFD0] =	vst v62  }
0x1ea: {  	[tilespmem:s30+$0xFFFFFFC0] =	vst v63  }
.Ltmp27:
0x1eb: {  	[tilespmem:s30+$0xFFFFFFE0] =	vst v3;
	(pc) =	sbr.rel @p1 .LBB2_42-.Ltmp27, $4  }
0x1ec: {  	[tilespmem:s30+$0x0] =	vst v4  }
0x1ed: {  	[tilespmem:s30+$0x10] =	vst v5  }
0x1ee: {  	s31 =	sadd.s32 $0x6000, s23;
	s1 =	simm.s32 $0xE000;
	[tilespmem:s30+$0x20] =	vst v2  }
0x1ef: {  	[hbm4b:s31+s17] =	stream.strided.scatter [tilespmem:s1], [sflag:$0xF], $0x1000, s13, s17, $0x38;
	[tilespmem:$0x10000] =	vst v63  }
.Ltmp28:
0x1f0: {  	(pc) =	sbr.rel .LBB2_43-.Ltmp28, $4  }
0x1f1: {  	s0 =	simm.s32 $0x8  }
0x1f2: {  	_ =	swait.ge [sflag:s0], $0x1000  }
0x1f3: {  	[sflag:s0] =	ssyncset.done $0x0  }
0x1f4: {  	[sflag:s0] =	ssyncadd.s32 $0xFFFFF000  }
.LBB2_42:
0x1f5: {  	s0 =	sadd.s32 $0xE, s9  }
0x1f6: {  	s1 =	sshrl.u32 s0, $0x1  }
0x1f7: {  	s0 =	sxor.u32 s0, s1  }
0x1f8: {  	s0 =	sshll.u32 s0, $0xC  }
0x1f9: {  	s0 =	sand.u32 $0x1FFFD000, s0  }
.Ltmp29:
0x1fa: {  	s31 =	simm.s32 $0x8;
	s0 =	sadd.s32 s3, s0;
	(pc) =	sbr.rel @p0 .LBB2_44-.Ltmp29, $4  }
0x1fb: {  	[tilespmem:s20], [sflag:$0x7] =	stream.strided.gather [hbm4b:s0+s17], $0x1000, s13, s17, $0x38;
	[tilespmem:$0x10000] =	vst v63  }
0x1fc: {  	_ =	swait.ge [sflag:s31], $0x1000  }
0x1fd: {  	[sflag:s31] =	ssyncset.done $0x0  }
0x1fe: {  	[sflag:s31] =	ssyncadd.s32 $0xFFFFF000  }
.LBB2_43:
0x1ff: {  	s0 =	simm.s32 $0x10  }
0x200: {  	_ =	swait.ge [sflag:s0], $0x1000  }
0x201: {  	[sflag:s0] =	ssyncset.done $0x0  }
0x202: {  	[sflag:s0] =	ssyncadd.s32 $0xFFFFF000  }
.LBB2_44:
0x203: {  	s1 =	simm.s32 $0x38;
	s4 =	simm.s32 $0x70  }
0x204: {  	s0 =	simm.s32 $0xF040;
	s5 =	simm.s32 $0x60;
	s7 =	simm.s32 $0x30  }
0x205: {  	s8 =	simm.s32 $0x0;
	s28 =	simm.s32 $0x10;
	s10 =	simm.s32 $0x8  }
0x206: {  	s11 =	simm.s32 $0x20;
	s12 =	simm.s32 $0x0;
	s5 =	sxor.u32 s7, s5  }
0x207: {  	s30 =	simm.s32 $0x10;
	s22 =	simm.s32 $0x30;
	s8 =	sxor.u32 s8, s12;
	v2 =	vxor.u32 s5, v1  }
0x208: {  	s31 =	simm.s32 $0x18;
	s24 =	simm.s32 $0x40;
	s7 =	sxor.u32 s10, s28;
	v3 =	vxor.u32 s8, v1  }
0x209: {  	s25 =	simm.s32 $0x50;
	s26 =	simm.s32 $0x28;
	s28 =	sxor.u32 s31, s22;
	v4 =	vxor.u32 s7, v1  }
0x20a: {  	s29 =	simm.s32 $0x68;
	s10 =	simm.s32 $0x20;
	s5 =	sxor.u32 s30, s11;
	v7 =	vxor.u32 s28, v1  }
0x20b: {  	s31 =	simm.s32 $0x70;
	s1 =	sxor.u32 s1, s4;
	s8 =	sxor.u32 s10, s24;
	v6 =	vxor.u32 s5, v1  }
0x20c: {  	s4 =	simm.s32 $0x78;
	s7 =	sxor.u32 s26, s25;
	s30 =	simm.s32 $0xE0;
	v8 =	vxor.u32 s8, v1;
	v2 =	vld.idx.msk [tilespmem:v2+s21+$0x0], $0xffff  }
0x20d: {  	s12 =	simm.s32 $0xA0;
	s22 =	simm.s32 $0x50;
	s5 =	sxor.u32 s31, s30;
	v12 =	vxor.u32 s7, v1;
	v14 =	vld.idx.msk [tilespmem:v3+s21+$0x0], $0xffff  }
0x20e: {  	s10 =	simm.s32 $0x40;
	s11 =	simm.s32 $0x90;
	s24 =	simm.s32 $0xB0;
	v9 =	vxor.u32 s5, v1;
	v5 =	vld.idx.msk [tilespmem:v4+s21+$0x0], $0xffff  }
0x20f: {  	v16 =	vxor.u32 s1, v1;
	s25 =	simm.s32 $0x60;
	s26 =	simm.s32 $0x80;
	s28 =	simm.s32 $0xD0;
	v7 =	vld.idx.msk [tilespmem:v7+s21+$0x0], $0xffff  }
0x210: {  	s7 =	simm.s32 $0x48;
	s30 =	simm.s32 $0x58;
	s31 =	simm.s32 $0xC0;
	v6 =	vld.idx.msk [tilespmem:v6+s21+$0x0], $0xffff  }
0x211: {  	s10 =	sxor.u32 s10, s26;
	s5 =	sxor.u32 s7, s11;
	s1 =	sxor.u32 s30, s24;
	v3 =	vld.idx.msk [tilespmem:v8+s21+$0x0], $0xffff  }
0x212: {  	s8 =	simm.s32 $0xF0;
	v15 =	vxor.u32 s10, v1;
	s26 =	sxor.u32 s25, s31;
	s30 =	sxor.u32 s29, s28;
	v11 =	vxor.u32 s5, v1;
	v10 =	vxor.u32 s1, v1;
	v12 =	vld.idx.msk [tilespmem:v12+s21+$0x0], $0xffff  }
0x213: {  	s7 =	sxor.u32 s22, s12;
	s11 =	simm.s32 $0x8;
	s31 =	sxor.u32 s4, s8;
	v4 =	vxor.u32 s30, v1;
	v8 =	vxor.u32 s26, v1;
	v13 =	vld.idx.msk [tilespmem:v9+s21+$0x0], $0xffff;
	[tilespmem:s0+$0x20] =	vst v2  }
0x214: {  	s25 =	simm.s32 $0xB8;
	s29 =	simm.s32 $0x170;
	s1 =	simm.s32 $0xF040;
	v9 =	vxor.u32 s7, v1;
	v2 =	vxor.u32 s31, v1;
	[tilespmem:s0+$0xFFFFFFC0] =	vst v14;
	v14 =	vld.idx.msk [tilespmem:v16+s21+$0x0], $0xffff  }
.LBB2_45:
0x215: {  	s4 =	sadd.s32 $0xFFFFFFF0, s29  }
0x216: {  	s5 =	sadd.s32 $0xFFFFFFF8, s25;
	s11 =	sadd.s32 $0x8, s11;
	[tilespmem:s0+$0xFFFFFFD0] =	vst v5;
	s7 =	sadd.s32 $0xFFFFFFC8, s25  }
0x217: {  	s8 =	sadd.s32 $0xFFFFFFD0, s25;
	s4 =	sxor.u32 s5, s4;
	p0 =	slt.u32 s11, $0xF8;
	[tilespmem:s0+$0xFFFFFFE0] =	vst v6  }
0x218: {  	s10 =	sadd.s32 $0xFFFFFFD8, s25;
	s5 =	sadd.s32 $0xFFFFFFA0, s29;
	s0 =	sadd.s32 $0x80, s0;
	v16 =	vxor.u32 s4, v1;
	v17 =	vld.idx.msk [tilespmem:v15+s21+$0x0], $0xffff;
	[tilespmem:s1+$0xFFFFFFF0] =	vst v7  }
0x219: {  	s12 =	sadd.s32 $0xFFFFFFC0, s29;
	s22 =	sadd.s32 $0xFFFFFFE0, s25;
	s4 =	sadd.s32 $0xFFFFFFB0, s29;
	v5 =	vld.idx.msk [tilespmem:v11+s21+$0x0], $0xffff;
	[tilespmem:s0+$0x20] =	vst v13  }
0x21a: {  	s24 =	sadd.s32 $0xFFFFFFD0, s29;
	s26 =	sadd.s32 $0xFFFFFFE8, s25;
	s28 =	sadd.s32 $0xFFFFFF90, s29;
	v6 =	vld.idx.msk [tilespmem:v9+s21+$0x0], $0xffff;
	[tilespmem:s1+$0x0] =	vst v3  }
.Ltmp30:
0x21b: {  	s30 =	sadd.s32 $0xFFFFFFE0, s29;
	s31 =	sadd.s32 $0xFFFFFFF0, s25;
	v7 =	vld.idx.msk [tilespmem:v10+s21+$0x0], $0xffff;
	[tilespmem:s1+$0x10] =	vst v12;
	(pc) =	sbr.rel @p0 .LBB2_45-.Ltmp30, $4  }
0x21c: {  	s7 =	sxor.u32 s7, s28;
	s5 =	sxor.u32 s8, s5;
	s4 =	sxor.u32 s10, s4;
	v3 =	vld.idx.msk [tilespmem:v8+s21+$0x0], $0xffff;
	[tilespmem:s1+$0x30] =	vst v14  }
0x21d: {  	v15 =	vxor.u32 s7, v1;
	v11 =	vxor.u32 s5, v1;
	s5 =	sxor.u32 s31, s30;
	v9 =	vxor.u32 s4, v1;
	s4 =	sxor.u32 s26, s24;
	s1 =	sxor.u32 s22, s12;
	v13 =	vld.idx.msk [tilespmem:v16+s21+$0x0], $0xffff  }
0x21e: {  	v8 =	vxor.u32 s4, v1;
	s4 =	sxor.u32 s25, s29;
	v10 =	vxor.u32 s1, v1;
	s1 =	smov.u32 s0;
	v12 =	vld.idx.msk [tilespmem:v4+s21+$0x0], $0xffff;
	v4 =	vxor.u32 s5, v1  }
0x21f: {  	s25 =	sadd.s32 $0x40, s25;
	s29 =	sadd.s32 $0x80, s29;
	[tilespmem:s0+$0xFFFFFFC0] =	vst v17;
	v14 =	vld.idx.msk [tilespmem:v2+s21+$0x0], $0xffff;
	v2 =	vxor.u32 s4, v1  }
0x220: {  	_ =	sdelay $0x1  }
0x221: {  	[tilespmem:s0+$0xFFFFFFD0] =	vst v5  }
0x222: {  	[tilespmem:s0+$0xFFFFFFE0] =	vst v6  }
0x223: {  	v61 =	vld.idx.msk [tilespmem:v15+s21+$0x0], $0xffff;
	[tilespmem:s1+$0xFFFFFFF0] =	vst v7  }
0x224: {  	s29 =	sadd.s32 $0x80, s0;
	v62 =	vld.idx.msk [tilespmem:v11+s21+$0x0], $0xffff;
	[tilespmem:s1+$0x0] =	vst v3  }
0x225: {  	v63 =	vld.idx.msk [tilespmem:v9+s21+$0x0], $0xffff;
	[tilespmem:s29+$0x20] =	vst v13  }
0x226: {  	v8 =	vld.idx.msk [tilespmem:v8+s21+$0x0], $0xffff;
	[tilespmem:s1+$0x10] =	vst v12  }
0x227: {  	v4 =	vld.idx.msk [tilespmem:v4+s21+$0x0], $0xffff;
	[tilespmem:s1+$0x30] =	vst v14  }
0x228: {  	v2 =	vld.idx.msk [tilespmem:v2+s21+$0x0], $0xffff;
	[tilespmem:s29+$0xFFFFFFC0] =	vst v61  }
0x229: {  	v3 =	vld.idx.msk [tilespmem:v10+s21+$0x0], $0xffff;
	[tilespmem:s29+$0xFFFFFFD0] =	vst v62  }
0x22a: {  	p0 =	seq.s32 s6, $0x1F;
	[tilespmem:s29+$0xFFFFFFE0] =	vst v63  }
.Ltmp31:
0x22b: {  	[tilespmem:s29+$0x0] =	vst v8;
	(pc) =	sbr.rel @p0 .LBB2_48-.Ltmp31, $4  }
0x22c: {  	[tilespmem:s29+$0x10] =	vst v4  }
0x22d: {  	[tilespmem:s29+$0x30] =	vst v2  }
0x22e: {  	s30 =	sadd.s32 $0x7000, s23;
	s31 =	simm.s32 $0xF000;
	[tilespmem:s29+$0xFFFFFFF0] =	vst v3  }
0x22f: {  	[hbm4b:s30+s17] =	stream.strided.scatter [tilespmem:s31], [sflag:$0x10], $0x1000, s13, s17, $0x38;
	[tilespmem:$0x10000] =	vst v63  }
0x230: {  	s0 =	sadd.s32 $0xF, s9  }
0x231: {  	s1 =	sshrl.u32 s0, $0x1  }
.Ltmp32:
0x232: {  	s0 =	sxor.u32 s0, s1;
	(pc) =	sbr.rel .LBB2_2-.Ltmp32, $4  }
0x233: {  	s0 =	sshll.u32 s0, $0xC  }
0x234: {  	s0 =	sand.u32 $0x1FFFC000, s0  }
0x235: {  	s6 =	sadd.s32 $0x1, s6;
	s0 =	sadd.s32 s3, s0  }
0x236: {  	[tilespmem:s21], [sflag:$0x8] =	stream.strided.gather [hbm4b:s0+s17], $0x1000, s13, s17, $0x38;
	[tilespmem:$0x10000] =	vst v63  }
.LBB2_49:
0x237: {  	_ =	sfence.sel $0x180000  }
0x238: {  	[bflag:$0x0] =	sbarrier.arrive $0xFFFF  }
0x239: {  	_ =	strace $0x90000047  }
0x23a: {  	s0 =	stileid.u32;
	[bflag:$0x2] =	sbarrier.arrive $0xFFFF  }
0x23b: {  	p0 =	sne.s32 s0, $0x0;
	s0 =	rddreg [dreg:$0x2]  }
0x23c: {  	s0 =	sadd.s32 @!p0 $0x100000, s0  }
0x23d: {  	[sflag:s0] =	ssyncadd.tile.s32 @!p0 $0x1;
	_ =	shalt  }
.Lfunc_end2:
_tile_overlayer_lowered:
.L_overlay_start_2:
0x23e: {  	(tag) =	ssettag $0x2  }
0x23f: {  	s0 =	rddreg [dreg:$0x0];
	s2 =	stileid.u32  }
0x240: {  	s1 =	rddreg [dreg:$0x1];
	p0 =	sne.s32 s2, $0x0  }
0x241: {  	s3 =	rddreg [dreg:$0x2];
	[bflag:$0x3] =	sbarrier.arrive $0xFFFF;
	s2 =	simm.s32 @!p0 $0x1C11  }
0x242: {  	[timem:s3], [sflag:s2] =	dma.local @!p0 [hbm:s0], s1  }
0x243: {  	s0 =	simm.s32 @!p0 $0x11  }
0x244: {  	_ =	swait.ge @!p0 [sflag:s0], s1  }
0x245: {  	s1 =	ssub.s32 @!p0 $0x0, s1;
	[sflag:s0] =	ssyncset.done @!p0 $0x0  }
0x246: {  	[sflag:s0] =	ssyncadd.s32 @!p0 s1  }
0x247: {  	[bflag:$0x3] =	sbarrier.arrive $0xFFFF  }
0x248: {  	_ =	shalt  }

</sc_bundles>
